<compile_context>
chip_gen: v7x
topology: tpu7x:2x2x1
jax: 0.10.2.dev20260603
libtpu: 0.0.44.dev20260713+nightly
codegen_flags: <defaults>
</compile_context>

<pallas_src>
import functools

import jax
import jax.numpy as jnp
from jax import lax
from jax.experimental import pallas as pl
from jax.experimental.pallas import tpu as pltpu
from jax.experimental.pallas import tpu_sc as plsc

NC = 2
NS = 16
NW = NC * NS
CHUNK = 80
NBUF = 4


def _aggregate_sc(x, src1, dst1, n_chunks, n_pad):
    n, d = x.shape
    epw = n_chunks * CHUNK
    rows_per_tile = n_pad // NS

    mesh = plsc.VectorSubcoreMesh(
        core_axis_name="c", subcore_axis_name="s", num_cores=NC,
        num_subcores=NS)

    @functools.partial(
        pl.kernel,
        out_type=(
            jax.ShapeDtypeStruct((NC, n_pad, d), jnp.float32),
            jax.ShapeDtypeStruct((NC * n_pad,), jnp.float32),
        ),
        mesh=mesh,
        scratch_types=[
            pltpu.VMEM((NBUF, CHUNK), jnp.int32),
            pltpu.VMEM((NBUF, CHUNK), jnp.int32),
            pltpu.VMEM((NBUF, CHUNK, d), jnp.float32),
            pltpu.VMEM((CHUNK,), jnp.float32),
            pltpu.VMEM((640,), jnp.float32),
            pltpu.VMEM_SHARED((n_pad, d), jnp.float32),
            pltpu.VMEM_SHARED((n_pad,), jnp.float32),
            pltpu.SemaphoreType.DMA((NBUF,)),
            pltpu.SemaphoreType.DMA((NBUF,)),
        ],
    )
    def agg(x_hbm, src_hbm, dst_hbm, zrows_hbm,
            nei_out, deg_out,
            src_ring, dst_ring, rows, ones_v, dbuf, acc, dacc, gsem, isem):
        cid = lax.axis_index("c")
        sid = lax.axis_index("s")
        wid = sid * NC + cid
        dpt = rows_per_tile

        zsl = pl.ds(sid * rows_per_tile, rows_per_tile)
        pltpu.sync_copy(zrows_hbm, acc.at[zsl])
        for j in range(640 // 16):
            dbuf[pl.ds(j * 16, 16)] = jnp.zeros((16,), jnp.float32)
        pltpu.sync_copy(dbuf.at[pl.ds(0, dpt)], dacc.at[pl.ds(sid * dpt, dpt)])
        for j in range(CHUNK // 16):
            ones_v[pl.ds(j * 16, 16)] = jnp.ones((16,), jnp.float32)
        plsc.subcore_barrier()

        def load_idx(c, slot, sem_wait=False):
            base = pl.multiple_of(wid * epw + c * CHUNK, 8)
            s = pltpu.async_copy(
                src_hbm.at[pl.ds(base, CHUNK)], src_ring.at[slot],
                isem.at[slot])
            t = pltpu.async_copy(
                dst_hbm.at[pl.ds(base, CHUNK)], dst_ring.at[slot],
                isem.at[slot])
            if sem_wait:
                s.wait()
                t.wait()

        def wait_idx(slot):
            pltpu.make_async_copy(
                src_hbm.at[pl.ds(0, CHUNK)], src_ring.at[slot],
                isem.at[slot]).wait()
            pltpu.make_async_copy(
                dst_hbm.at[pl.ds(0, CHUNK)], dst_ring.at[slot],
                isem.at[slot]).wait()

        def gather(slot):
            pltpu.async_copy(
                x_hbm.at[src_ring.at[slot]], rows.at[slot], gsem.at[slot])

        for k in range(NBUF):
            load_idx(k, k)
        for k in range(NBUF - 1):
            wait_idx(k)
            gather(k)

        def body(i, carry):
            b = lax.rem(i, NBUF)
            pltpu.make_async_copy(
                x_hbm.at[src_ring.at[0]], rows.at[b], gsem.at[b]).wait()
            pltpu.sync_copy(rows.at[b], acc.at[dst_ring.at[b]], add=True)
            pltpu.sync_copy(ones_v, dacc.at[dst_ring.at[b]], add=True)
            nl = i + NBUF

            @pl.when(nl < n_chunks)
            def _load():
                load_idx(nl, b)

            c = i + NBUF - 1
            bc = lax.rem(c, NBUF)

            @pl.when(c < n_chunks)
            def _gather():
                wait_idx(bc)
                gather(bc)
            return carry

        lax.fori_loop(0, n_chunks, body, 0)
        plsc.subcore_barrier()

        pltpu.sync_copy(acc.at[zsl], nei_out.at[cid, zsl])
        pltpu.sync_copy(dacc.at[pl.ds(sid * dpt, dpt)], dbuf.at[pl.ds(0, dpt)])
        dsl = pl.ds(pl.multiple_of(cid * n_pad + sid * dpt, 8), dpt)
        pltpu.sync_copy(dbuf.at[pl.ds(0, dpt)], deg_out.at[dsl])

    zrows = jnp.zeros((rows_per_tile, d), jnp.float32)
    return agg(x, src1, dst1, zrows)


def _linear_tc(x, nei, deg, w, b, row_block):
    n, d = x.shape

    n_pad = nei.shape[1]
    nblk = n_pad // row_block

    def body(x_ref, n_ref, d0_ref, d1_ref, w_ref, b_ref, o_ref):
        s = x_ref[...] + n_ref[0] + n_ref[1]
        dv = d0_ref[...] + d1_ref[...] + 1.0
        inv = (1.0 / dv)[:, None]
        s = s * inv
        o_ref[...] = lax.dot_general(
            s, w_ref[...], (((1,), (1,)), ((), ())),
            preferred_element_type=jnp.float32,
            precision=lax.Precision.HIGHEST) + b_ref[...]

    grid = (pl.cdiv(n, row_block),)
    return pl.pallas_call(
        body,
        grid=grid,
        in_specs=[
            pl.BlockSpec((row_block, d), lambda i: (i, 0)),
            pl.BlockSpec((NC, row_block, d), lambda i: (0, i, 0)),
            pl.BlockSpec((row_block,), lambda i: (i,)),
            pl.BlockSpec((row_block,), lambda i: (i + nblk,)),
            pl.BlockSpec((d, d), lambda i: (0, 0)),
            pl.BlockSpec((1, d), lambda i: (0, 0)),
        ],
        out_specs=pl.BlockSpec((row_block, d), lambda i: (i, 0)),
        out_shape=jax.ShapeDtypeStruct((n, d), jnp.float32),
    )(x, nei, deg, deg, w, b)


def kernel(x, edge_index, W, b):
    n, d = x.shape
    e = edge_index.shape[1]
    src = edge_index[0]
    dst = edge_index[1]

    rb = 2048
    n_pad = ((n + rb - 1) // rb) * rb
    epw = e // NW
    epw_pad = ((epw + CHUNK - 1) // CHUNK) * CHUNK
    padn = epw_pad - epw

    srcw = src.reshape(NW, epw)
    dstw = dst.reshape(NW, epw)
    if padn:
        ps = (jnp.arange(NW, dtype=jnp.int32)[:, None] * 131
              + jnp.arange(padn, dtype=jnp.int32)[None, :] * 7) % n
        pd = jnp.broadcast_to(
            n + jnp.arange(NW, dtype=jnp.int32)[:, None], (NW, padn))
        srcw = jnp.concatenate([srcw, ps], axis=1)
        dstw = jnp.concatenate([dstw, pd.astype(jnp.int32)], axis=1)
    src1 = srcw.reshape(NW * epw_pad)
    dst1 = dstw.reshape(NW * epw_pad)

    nei, deg = _aggregate_sc(x, src1, dst1, epw_pad // CHUNK, n_pad)

    return _linear_tc(x, nei, deg, W, b.reshape(1, d), row_block=rb)

# --- scband reference (transcript-rebuilt; emitter-appended) ---
"""Pipeline reference for scband-aggregator-26121991094945 (READ-ONLY COPY).

The authoritative reference and input builder live on the scoring server;
editing this copy changes nothing except your own understanding.
"""

import jax, jax.numpy as jnp
import numpy as np


def _xavier_uniform(key, shape, gain):
    fan_out, fan_in = shape[0], shape[1]
    bound = gain * np.sqrt(6.0 / (fan_in + fan_out))
    return jax.random.uniform(key, shape, jnp.float32, -bound, bound)


def setup_inputs(seed: int = 0):
    key = jax.random.key(seed)
    k1, k2, k3 = jax.random.split(key, 3)
    N, E, D_IN, D_OUT = 10000, 320000, 128, 128
    x = jax.random.normal(k1, (N, D_IN), jnp.float32)
    edge_index = jax.random.randint(k2, (2, E), 0, N, jnp.int32)
    gain = np.sqrt(2.0)  # calculate_gain('relu')
    W = _xavier_uniform(k3, (D_OUT, D_IN), gain)
    b = jnp.zeros((D_OUT,), jnp.float32)
    return {"x": x, "edge_index": edge_index, "W": W, "b": b}


def reference(x, edge_index, W, b):
    # DGL node-UDF semantics: mailbox 'm' holds messages x[src] delivered to dst;
    # concat (abstract) implemented as GCN-style mean aggregation including self.
    N = x.shape[0]
    src = edge_index[0]
    dst = edge_index[1]
    m = jnp.take(x, src, axis=0)                                   # gather messages
    nei_sum = jax.ops.segment_sum(m, dst, num_segments=N)          # scatter-add reduce
    deg = jax.ops.segment_sum(jnp.ones((m.shape[0],), jnp.float32), dst, num_segments=N)
    h = (x + nei_sum) / (deg[:, None] + 1.0)                       # concat(h, nei) -> mean
    h = h @ W.T + b                                                # self.linear
    # activation is None
    norm = jnp.sum(jnp.power(h, 2), axis=1, keepdims=True)
    norm = jnp.power(norm, -0.5)
    norm = jnp.where(jnp.isinf(norm), 0.0, norm)                   # computed but unused, as in torch
    return h

if __name__ == "__main__":
    import jax
    _d = setup_inputs()
    print(jax.jit(kernel)(*tuple(_d.values())))

</pallas_src>

<mosaic_0001>
#map = affine_map<(d0, d1) -> (0, 0)>
#map1 = affine_map<(d0, d1) -> (0)>
#map2 = affine_map<(d0, d1) -> (0, 0, 0)>
module attributes {stable_mosaic.version = 14 : i64} {
  func.func @agg(%arg0: i32, %arg1: i32, %arg2: memref<10000x128xf32, #tpu.memory_space<hbm>>, %arg3: memref<320000xi32, #tpu.memory_space<hbm>>, %arg4: memref<320000xi32, #tpu.memory_space<hbm>>, %arg5: memref<640x128xf32, #tpu.memory_space<hbm>>, %arg6: memref<2x10240x128xf32, #tpu.memory_space<hbm>>, %arg7: memref<20480xf32, #tpu.memory_space<hbm>>, %arg8: memref<4x80xi32, #tpu.memory_space<vmem>>, %arg9: memref<4x80xi32, #tpu.memory_space<vmem>>, %arg10: memref<4x80x128xf32, #tpu.memory_space<vmem>>, %arg11: memref<80xf32, #tpu.memory_space<vmem>>, %arg12: memref<640xf32, #tpu.memory_space<vmem>>, %arg13: memref<10240x128xf32, #tpu.memory_space<vmem_shared>>, %arg14: memref<10240xf32, #tpu.memory_space<vmem_shared>>, %arg15: memref<4x!tpu.dma_semaphore, #tpu.memory_space<semaphore_mem>>, %arg16: memref<4x!tpu.dma_semaphore, #tpu.memory_space<semaphore_mem>>) attributes {dimension_semantics = [#tpu.dimension_semantics<core_parallel>, #tpu.dimension_semantics<subcore_parallel>], iteration_bounds = array<i64: 2, 16>, scalar_prefetch = 0 : i64, scratch_operands = 9 : i64, tpu.core_type = #tpu.core_type<sc_vector_subcore>, window_params = [{transform_indices = #map}, {transform_indices = #map1}, {transform_indices = #map1}, {transform_indices = #map}, {transform_indices = #map2}, {transform_indices = #map1}]} {
    %mul3A = arith.constant 2 : i32
    %mul3A_0 = arith.muli %arg1, %mul3A : i32
    %add3A = arith.addi %mul3A_0, %arg0 : i32
    %mul3A_1 = arith.constant 640 : i32
    %mul3A_2 = arith.muli %arg1, %mul3A_1 : i32
    "tpu.region"() ({
      %run_scoped3A = tpu.sem_alloc : memref<!tpu.dma_semaphore, #tpu.memory_space<semaphore_mem>>
      %dma_start3A_529 = arith.constant 0 : i32
      %dma_start3A_530 = tpu.memref_slice %arg13[%mul3A_2, %dma_start3A_529] : memref<10240x128xf32, #tpu.memory_space<vmem_shared>> -> memref<640x128xf32, #tpu.memory_space<vmem_shared>>
      tpu.enqueue_dma source(%arg5 : memref<640x128xf32, #tpu.memory_space<hbm>>) target(%dma_start3A_530 : memref<640x128xf32, #tpu.memory_space<vmem_shared>>) target_semaphore(%run_scoped3A : memref<!tpu.dma_semaphore, #tpu.memory_space<semaphore_mem>>)
      %dma_wait3A_531 = arith.constant 0 : i32
      %dma_wait3A_532 = tpu.memref_slice %arg13[%mul3A_2, %dma_wait3A_531] : memref<10240x128xf32, #tpu.memory_space<vmem_shared>> -> memref<640x128xf32, #tpu.memory_space<vmem_shared>>
      tpu.wait_dma2 semaphore(%run_scoped3A : memref<!tpu.dma_semaphore, #tpu.memory_space<semaphore_mem>>) src(%arg5 : memref<640x128xf32, #tpu.memory_space<hbm>>) dst(%dma_wait3A_532 : memref<640x128xf32, #tpu.memory_space<vmem_shared>>)
      tpu.yield
    }) : () -> ()
    %broadcast_in_dim3A = arith.constant 0.000000e+00 : f32
    %broadcast_in_dim3A_3 = vector.broadcast %broadcast_in_dim3A : f32 to vector<16xf32>
    %swap3A = arith.constant 0 : index
    %swap3A_4 = tpu.vector_load %arg12[%swap3A] {strides = array<i32>} : memref<640xf32, #tpu.memory_space<vmem>>, vector<16xf32>,
    %swap3A_5 = vector.shape_cast %swap3A_4 : vector<16xf32> to vector<16xf32>
    %swap3A_6 = vector.shape_cast %broadcast_in_dim3A_3 : vector<16xf32> to vector<16xf32>
    tpu.vector_store %arg12[%swap3A], %swap3A_6 {strides = array<i32>} : memref<640xf32, #tpu.memory_space<vmem>>, vector<16xf32>,
    %broadcast_in_dim3A_7 = arith.constant 0.000000e+00 : f32
    %broadcast_in_dim3A_8 = vector.broadcast %broadcast_in_dim3A_7 : f32 to vector<16xf32>
    %swap3A_9 = arith.constant 16 : index
    %swap3A_10 = tpu.vector_load %arg12[%swap3A_9] {strides = array<i32>} : memref<640xf32, #tpu.memory_space<vmem>>, vector<16xf32>,
    %swap3A_11 = vector.shape_cast %swap3A_10 : vector<16xf32> to vector<16xf32>
    %swap3A_12 = vector.shape_cast %broadcast_in_dim3A_8 : vector<16xf32> to vector<16xf32>
    tpu.vector_store %arg12[%swap3A_9], %swap3A_12 {strides = array<i32>} : memref<640xf32, #tpu.memory_space<vmem>>, vector<16xf32>,
    %broadcast_in_dim3A_13 = arith.constant 0.000000e+00 : f32
    %broadcast_in_dim3A_14 = vector.broadcast %broadcast_in_dim3A_13 : f32 to vector<16xf32>
    %swap3A_15 = arith.constant 32 : index
    %swap3A_16 = tpu.vector_load %arg12[%swap3A_15] {strides = array<i32>} : memref<640xf32, #tpu.memory_space<vmem>>, vector<16xf32>,
    %swap3A_17 = vector.shape_cast %swap3A_16 : vector<16xf32> to vector<16xf32>
    %swap3A_18 = vector.shape_cast %broadcast_in_dim3A_14 : vector<16xf32> to vector<16xf32>
    tpu.vector_store %arg12[%swap3A_15], %swap3A_18 {strides = array<i32>} : memref<640xf32, #tpu.memory_space<vmem>>, vector<16xf32>,
    %broadcast_in_dim3A_19 = arith.constant 0.000000e+00 : f32
    %broadcast_in_dim3A_20 = vector.broadcast %broadcast_in_dim3A_19 : f32 to vector<16xf32>
    %swap3A_21 = arith.constant 48 : index
    %swap3A_22 = tpu.vector_load %arg12[%swap3A_21] {strides = array<i32>} : memref<640xf32, #tpu.memory_space<vmem>>, vector<16xf32>,
    %swap3A_23 = vector.shape_cast %swap3A_22 : vector<16xf32> to vector<16xf32>
    %swap3A_24 = vector.shape_cast %broadcast_in_dim3A_20 : vector<16xf32> to vector<16xf32>
    tpu.vector_store %arg12[%swap3A_21], %swap3A_24 {strides = array<i32>} : memref<640xf32, #tpu.memory_space<vmem>>, vector<16xf32>,
    %broadcast_in_dim3A_25 = arith.constant 0.000000e+00 : f32
    %broadcast_in_dim3A_26 = vector.broadcast %broadcast_in_dim3A_25 : f32 to vector<16xf32>
    %swap3A_27 = arith.constant 64 : index
    %swap3A_28 = tpu.vector_load %arg12[%swap3A_27] {strides = array<i32>} : memref<640xf32, #tpu.memory_space<vmem>>, vector<16xf32>,
    %swap3A_29 = vector.shape_cast %swap3A_28 : vector<16xf32> to vector<16xf32>
    %swap3A_30 = vector.shape_cast %broadcast_in_dim3A_26 : vector<16xf32> to vector<16xf32>
    tpu.vector_store %arg12[%swap3A_27], %swap3A_30 {strides = array<i32>} : memref<640xf32, #tpu.memory_space<vmem>>, vector<16xf32>,
    %broadcast_in_dim3A_31 = arith.constant 0.000000e+00 : f32
    %broadcast_in_dim3A_32 = vector.broadcast %broadcast_in_dim3A_31 : f32 to vector<16xf32>
    %swap3A_33 = arith.constant 80 : index
    %swap3A_34 = tpu.vector_load %arg12[%swap3A_33] {strides = array<i32>} : memref<640xf32, #tpu.memory_space<vmem>>, vector<16xf32>,
    %swap3A_35 = vector.shape_cast %swap3A_34 : vector<16xf32> to vector<16xf32>
    %swap3A_36 = vector.shape_cast %broadcast_in_dim3A_32 : vector<16xf32> to vector<16xf32>
    tpu.vector_store %arg12[%swap3A_33], %swap3A_36 {strides = array<i32>} : memref<640xf32, #tpu.memory_space<vmem>>, vector<16xf32>,
    %broadcast_in_dim3A_37 = arith.constant 0.000000e+00 : f32
    %broadcast_in_dim3A_38 = vector.broadcast %broadcast_in_dim3A_37 : f32 to vector<16xf32>
    %swap3A_39 = arith.constant 96 : index
    %swap3A_40 = tpu.vector_load %arg12[%swap3A_39] {strides = array<i32>} : memref<640xf32, #tpu.memory_space<vmem>>, vector<16xf32>,
    %swap3A_41 = vector.shape_cast %swap3A_40 : vector<16xf32> to vector<16xf32>
    %swap3A_42 = vector.shape_cast %broadcast_in_dim3A_38 : vector<16xf32> to vector<16xf32>
    tpu.vector_store %arg12[%swap3A_39], %swap3A_42 {strides = array<i32>} : memref<640xf32, #tpu.memory_space<vmem>>, vector<16xf32>,
    %broadcast_in_dim3A_43 = arith.constant 0.000000e+00 : f32
    %broadcast_in_dim3A_44 = vector.broadcast %broadcast_in_dim3A_43 : f32 to vector<16xf32>
    %swap3A_45 = arith.constant 112 : index
    %swap3A_46 = tpu.vector_load %arg12[%swap3A_45] {strides = array<i32>} : memref<640xf32, #tpu.memory_space<vmem>>, vector<16xf32>,
    %swap3A_47 = vector.shape_cast %swap3A_46 : vector<16xf32> to vector<16xf32>
    %swap3A_48 = vector.shape_cast %broadcast_in_dim3A_44 : vector<16xf32> to vector<16xf32>
    tpu.vector_store %arg12[%swap3A_45], %swap3A_48 {strides = array<i32>} : memref<640xf32, #tpu.memory_space<vmem>>, vector<16xf32>,
    %broadcast_in_dim3A_49 = arith.constant 0.000000e+00 : f32
    %broadcast_in_dim3A_50 = vector.broadcast %broadcast_in_dim3A_49 : f32 to vector<16xf32>
    %swap3A_51 = arith.constant 128 : index
    %swap3A_52 = tpu.vector_load %arg12[%swap3A_51] {strides = array<i32>} : memref<640xf32, #tpu.memory_space<vmem>>, vector<16xf32>,
    %swap3A_53 = vector.shape_cast %swap3A_52 : vector<16xf32> to vector<16xf32>
    %swap3A_54 = vector.shape_cast %broadcast_in_dim3A_50 : vector<16xf32> to vector<16xf32>
    tpu.vector_store %arg12[%swap3A_51], %swap3A_54 {strides = array<i32>} : memref<640xf32, #tpu.memory_space<vmem>>, vector<16xf32>,
    %broadcast_in_dim3A_55 = arith.constant 0.000000e+00 : f32
    %broadcast_in_dim3A_56 = vector.broadcast %broadcast_in_dim3A_55 : f32 to vector<16xf32>
    %swap3A_57 = arith.constant 144 : index
    %swap3A_58 = tpu.vector_load %arg12[%swap3A_57] {strides = array<i32>} : memref<640xf32, #tpu.memory_space<vmem>>, vector<16xf32>,
    %swap3A_59 = vector.shape_cast %swap3A_58 : vector<16xf32> to vector<16xf32>
    %swap3A_60 = vector.shape_cast %broadcast_in_dim3A_56 : vector<16xf32> to vector<16xf32>
    tpu.vector_store %arg12[%swap3A_57], %swap3A_60 {strides = array<i32>} : memref<640xf32, #tpu.memory_space<vmem>>, vector<16xf32>,
    %broadcast_in_dim3A_61 = arith.constant 0.000000e+00 : f32
    %broadcast_in_dim3A_62 = vector.broadcast %broadcast_in_dim3A_61 : f32 to vector<16xf32>
    %swap3A_63 = arith.constant 160 : index
    %swap3A_64 = tpu.vector_load %arg12[%swap3A_63] {strides = array<i32>} : memref<640xf32, #tpu.memory_space<vmem>>, vector<16xf32>,
    %swap3A_65 = vector.shape_cast %swap3A_64 : vector<16xf32> to vector<16xf32>
    %swap3A_66 = vector.shape_cast %broadcast_in_dim3A_62 : vector<16xf32> to vector<16xf32>
    tpu.vector_store %arg12[%swap3A_63], %swap3A_66 {strides = array<i32>} : memref<640xf32, #tpu.memory_space<vmem>>, vector<16xf32>,
    %broadcast_in_dim3A_67 = arith.constant 0.000000e+00 : f32
    %broadcast_in_dim3A_68 = vector.broadcast %broadcast_in_dim3A_67 : f32 to vector<16xf32>
    %swap3A_69 = arith.constant 176 : index
    %swap3A_70 = tpu.vector_load %arg12[%swap3A_69] {strides = array<i32>} : memref<640xf32, #tpu.memory_space<vmem>>, vector<16xf32>,
    %swap3A_71 = vector.shape_cast %swap3A_70 : vector<16xf32> to vector<16xf32>
    %swap3A_72 = vector.shape_cast %broadcast_in_dim3A_68 : vector<16xf32> to vector<16xf32>
    tpu.vector_store %arg12[%swap3A_69], %swap3A_72 {strides = array<i32>} : memref<640xf32, #tpu.memory_space<vmem>>, vector<16xf32>,
    %broadcast_in_dim3A_73 = arith.constant 0.000000e+00 : f32
    %broadcast_in_dim3A_74 = vector.broadcast %broadcast_in_dim3A_73 : f32 to vector<16xf32>
    %swap3A_75 = arith.constant 192 : index
    %swap3A_76 = tpu.vector_load %arg12[%swap3A_75] {strides = array<i32>} : memref<640xf32, #tpu.memory_space<vmem>>, vector<16xf32>,
    %swap3A_77 = vector.shape_cast %swap3A_76 : vector<16xf32> to vector<16xf32>
    %swap3A_78 = vector.shape_cast %broadcast_in_dim3A_74 : vector<16xf32> to vector<16xf32>
    tpu.vector_store %arg12[%swap3A_75], %swap3A_78 {strides = array<i32>} : memref<640xf32, #tpu.memory_space<vmem>>, vector<16xf32>,
    %broadcast_in_dim3A_79 = arith.constant 0.000000e+00 : f32
    %broadcast_in_dim3A_80 = vector.broadcast %broadcast_in_dim3A_79 : f32 to vector<16xf32>
    %swap3A_81 = arith.constant 208 : index
    %swap3A_82 = tpu.vector_load %arg12[%swap3A_81] {strides = array<i32>} : memref<640xf32, #tpu.memory_space<vmem>>, vector<16xf32>,
    %swap3A_83 = vector.shape_cast %swap3A_82 : vector<16xf32> to vector<16xf32>
    %swap3A_84 = vector.shape_cast %broadcast_in_dim3A_80 : vector<16xf32> to vector<16xf32>
    tpu.vector_store %arg12[%swap3A_81], %swap3A_84 {strides = array<i32>} : memref<640xf32, #tpu.memory_space<vmem>>, vector<16xf32>,
    %broadcast_in_dim3A_85 = arith.constant 0.000000e+00 : f32
    %broadcast_in_dim3A_86 = vector.broadcast %broadcast_in_dim3A_85 : f32 to vector<16xf32>
    %swap3A_87 = arith.constant 224 : index
    %swap3A_88 = tpu.vector_load %arg12[%swap3A_87] {strides = array<i32>} : memref<640xf32, #tpu.memory_space<vmem>>, vector<16xf32>,
    %swap3A_89 = vector.shape_cast %swap3A_88 : vector<16xf32> to vector<16xf32>
    %swap3A_90 = vector.shape_cast %broadcast_in_dim3A_86 : vector<16xf32> to vector<16xf32>
    tpu.vector_store %arg12[%swap3A_87], %swap3A_90 {strides = array<i32>} : memref<640xf32, #tpu.memory_space<vmem>>, vector<16xf32>,
    %broadcast_in_dim3A_91 = arith.constant 0.000000e+00 : f32
    %broadcast_in_dim3A_92 = vector.broadcast %broadcast_in_dim3A_91 : f32 to vector<16xf32>
    %swap3A_93 = arith.constant 240 : index
    %swap3A_94 = tpu.vector_load %arg12[%swap3A_93] {strides = array<i32>} : memref<640xf32, #tpu.memory_space<vmem>>, vector<16xf32>,
    %swap3A_95 = vector.shape_cast %swap3A_94 : vector<16xf32> to vector<16xf32>
    %swap3A_96 = vector.shape_cast %broadcast_in_dim3A_92 : vector<16xf32> to vector<16xf32>
    tpu.vector_store %arg12[%swap3A_93], %swap3A_96 {strides = array<i32>} : memref<640xf32, #tpu.memory_space<vmem>>, vector<16xf32>,
    %broadcast_in_dim3A_97 = arith.constant 0.000000e+00 : f32
    %broadcast_in_dim3A_98 = vector.broadcast %broadcast_in_dim3A_97 : f32 to vector<16xf32>
    %swap3A_99 = arith.constant 256 : index
    %swap3A_100 = tpu.vector_load %arg12[%swap3A_99] {strides = array<i32>} : memref<640xf32, #tpu.memory_space<vmem>>, vector<16xf32>,
    %swap3A_101 = vector.shape_cast %swap3A_100 : vector<16xf32> to vector<16xf32>
    %swap3A_102 = vector.shape_cast %broadcast_in_dim3A_98 : vector<16xf32> to vector<16xf32>
    tpu.vector_store %arg12[%swap3A_99], %swap3A_102 {strides = array<i32>} : memref<640xf32, #tpu.memory_space<vmem>>, vector<16xf32>,
    %broadcast_in_dim3A_103 = arith.constant 0.000000e+00 : f32
    %broadcast_in_dim3A_104 = vector.broadcast %broadcast_in_dim3A_103 : f32 to vector<16xf32>
    %swap3A_105 = arith.constant 272 : index
    %swap3A_106 = tpu.vector_load %arg12[%swap3A_105] {strides = array<i32>} : memref<640xf32, #tpu.memory_space<vmem>>, vector<16xf32>,
    %swap3A_107 = vector.shape_cast %swap3A_106 : vector<16xf32> to vector<16xf32>
    %swap3A_108 = vector.shape_cast %broadcast_in_dim3A_104 : vector<16xf32> to vector<16xf32>
    tpu.vector_store %arg12[%swap3A_105], %swap3A_108 {strides = array<i32>} : memref<640xf32, #tpu.memory_space<vmem>>, vector<16xf32>,
    %broadcast_in_dim3A_109 = arith.constant 0.000000e+00 : f32
    %broadcast_in_dim3A_110 = vector.broadcast %broadcast_in_dim3A_109 : f32 to vector<16xf32>
    %swap3A_111 = arith.constant 288 : index
    %swap3A_112 = tpu.vector_load %arg12[%swap3A_111] {strides = array<i32>} : memref<640xf32, #tpu.memory_space<vmem>>, vector<16xf32>,
    %swap3A_113 = vector.shape_cast %swap3A_112 : vector<16xf32> to vector<16xf32>
    %swap3A_114 = vector.shape_cast %broadcast_in_dim3A_110 : vector<16xf32> to vector<16xf32>
    tpu.vector_store %arg12[%swap3A_111], %swap3A_114 {strides = array<i32>} : memref<640xf32, #tpu.memory_space<vmem>>, vector<16xf32>,
    %broadcast_in_dim3A_115 = arith.constant 0.000000e+00 : f32
    %broadcast_in_dim3A_116 = vector.broadcast %broadcast_in_dim3A_115 : f32 to vector<16xf32>
    %swap3A_117 = arith.constant 304 : index
    %swap3A_118 = tpu.vector_load %arg12[%swap3A_117] {strides = array<i32>} : memref<640xf32, #tpu.memory_space<vmem>>, vector<16xf32>,
    %swap3A_119 = vector.shape_cast %swap3A_118 : vector<16xf32> to vector<16xf32>
    %swap3A_120 = vector.shape_cast %broadcast_in_dim3A_116 : vector<16xf32> to vector<16xf32>
    tpu.vector_store %arg12[%swap3A_117], %swap3A_120 {strides = array<i32>} : memref<640xf32, #tpu.memory_space<vmem>>, vector<16xf32>,
    %broadcast_in_dim3A_121 = arith.constant 0.000000e+00 : f32
    %broadcast_in_dim3A_122 = vector.broadcast %broadcast_in_dim3A_121 : f32 to vector<16xf32>
    %swap3A_123 = arith.constant 320 : index
    %swap3A_124 = tpu.vector_load %arg12[%swap3A_123] {strides = array<i32>} : memref<640xf32, #tpu.memory_space<vmem>>, vector<16xf32>,
    %swap3A_125 = vector.shape_cast %swap3A_124 : vector<16xf32> to vector<16xf32>
    %swap3A_126 = vector.shape_cast %broadcast_in_dim3A_122 : vector<16xf32> to vector<16xf32>
    tpu.vector_store %arg12[%swap3A_123], %swap3A_126 {strides = array<i32>} : memref<640xf32, #tpu.memory_space<vmem>>, vector<16xf32>,
    %broadcast_in_dim3A_127 = arith.constant 0.000000e+00 : f32
    %broadcast_in_dim3A_128 = vector.broadcast %broadcast_in_dim3A_127 : f32 to vector<16xf32>
    %swap3A_129 = arith.constant 336 : index
    %swap3A_130 = tpu.vector_load %arg12[%swap3A_129] {strides = array<i32>} : memref<640xf32, #tpu.memory_space<vmem>>, vector<16xf32>,
    %swap3A_131 = vector.shape_cast %swap3A_130 : vector<16xf32> to vector<16xf32>
    %swap3A_132 = vector.shape_cast %broadcast_in_dim3A_128 : vector<16xf32> to vector<16xf32>
    tpu.vector_store %arg12[%swap3A_129], %swap3A_132 {strides = array<i32>} : memref<640xf32, #tpu.memory_space<vmem>>, vector<16xf32>,
    %broadcast_in_dim3A_133 = arith.constant 0.000000e+00 : f32
    %broadcast_in_dim3A_134 = vector.broadcast %broadcast_in_dim3A_133 : f32 to vector<16xf32>
    %swap3A_135 = arith.constant 352 : index
    %swap3A_136 = tpu.vector_load %arg12[%swap3A_135] {strides = array<i32>} : memref<640xf32, #tpu.memory_space<vmem>>, vector<16xf32>,
    %swap3A_137 = vector.shape_cast %swap3A_136 : vector<16xf32> to vector<16xf32>
    %swap3A_138 = vector.shape_cast %broadcast_in_dim3A_134 : vector<16xf32> to vector<16xf32>
    tpu.vector_store %arg12[%swap3A_135], %swap3A_138 {strides = array<i32>} : memref<640xf32, #tpu.memory_space<vmem>>, vector<16xf32>,
    %broadcast_in_dim3A_139 = arith.constant 0.000000e+00 : f32
    %broadcast_in_dim3A_140 = vector.broadcast %broadcast_in_dim3A_139 : f32 to vector<16xf32>
    %swap3A_141 = arith.constant 368 : index
    %swap3A_142 = tpu.vector_load %arg12[%swap3A_141] {strides = array<i32>} : memref<640xf32, #tpu.memory_space<vmem>>, vector<16xf32>,
    %swap3A_143 = vector.shape_cast %swap3A_142 : vector<16xf32> to vector<16xf32>
    %swap3A_144 = vector.shape_cast %broadcast_in_dim3A_140 : vector<16xf32> to vector<16xf32>
    tpu.vector_store %arg12[%swap3A_141], %swap3A_144 {strides = array<i32>} : memref<640xf32, #tpu.memory_space<vmem>>, vector<16xf32>,
    %broadcast_in_dim3A_145 = arith.constant 0.000000e+00 : f32
    %broadcast_in_dim3A_146 = vector.broadcast %broadcast_in_dim3A_145 : f32 to vector<16xf32>
    %swap3A_147 = arith.constant 384 : index
    %swap3A_148 = tpu.vector_load %arg12[%swap3A_147] {strides = array<i32>} : memref<640xf32, #tpu.memory_space<vmem>>, vector<16xf32>,
    %swap3A_149 = vector.shape_cast %swap3A_148 : vector<16xf32> to vector<16xf32>
    %swap3A_150 = vector.shape_cast %broadcast_in_dim3A_146 : vector<16xf32> to vector<16xf32>
    tpu.vector_store %arg12[%swap3A_147], %swap3A_150 {strides = array<i32>} : memref<640xf32, #tpu.memory_space<vmem>>, vector<16xf32>,
    %broadcast_in_dim3A_151 = arith.constant 0.000000e+00 : f32
    %broadcast_in_dim3A_152 = vector.broadcast %broadcast_in_dim3A_151 : f32 to vector<16xf32>
    %swap3A_153 = arith.constant 400 : index
    %swap3A_154 = tpu.vector_load %arg12[%swap3A_153] {strides = array<i32>} : memref<640xf32, #tpu.memory_space<vmem>>, vector<16xf32>,
    %swap3A_155 = vector.shape_cast %swap3A_154 : vector<16xf32> to vector<16xf32>
    %swap3A_156 = vector.shape_cast %broadcast_in_dim3A_152 : vector<16xf32> to vector<16xf32>
    tpu.vector_store %arg12[%swap3A_153], %swap3A_156 {strides = array<i32>} : memref<640xf32, #tpu.memory_space<vmem>>, vector<16xf32>,
    %broadcast_in_dim3A_157 = arith.constant 0.000000e+00 : f32
    %broadcast_in_dim3A_158 = vector.broadcast %broadcast_in_dim3A_157 : f32 to vector<16xf32>
    %swap3A_159 = arith.constant 416 : index
    %swap3A_160 = tpu.vector_load %arg12[%swap3A_159] {strides = array<i32>} : memref<640xf32, #tpu.memory_space<vmem>>, vector<16xf32>,
    %swap3A_161 = vector.shape_cast %swap3A_160 : vector<16xf32> to vector<16xf32>
    %swap3A_162 = vector.shape_cast %broadcast_in_dim3A_158 : vector<16xf32> to vector<16xf32>
    tpu.vector_store %arg12[%swap3A_159], %swap3A_162 {strides = array<i32>} : memref<640xf32, #tpu.memory_space<vmem>>, vector<16xf32>,
    %broadcast_in_dim3A_163 = arith.constant 0.000000e+00 : f32
    %broadcast_in_dim3A_164 = vector.broadcast %broadcast_in_dim3A_163 : f32 to vector<16xf32>
    %swap3A_165 = arith.constant 432 : index
    %swap3A_166 = tpu.vector_load %arg12[%swap3A_165] {strides = array<i32>} : memref<640xf32, #tpu.memory_space<vmem>>, vector<16xf32>,
    %swap3A_167 = vector.shape_cast %swap3A_166 : vector<16xf32> to vector<16xf32>
    %swap3A_168 = vector.shape_cast %broadcast_in_dim3A_164 : vector<16xf32> to vector<16xf32>
    tpu.vector_store %arg12[%swap3A_165], %swap3A_168 {strides = array<i32>} : memref<640xf32, #tpu.memory_space<vmem>>, vector<16xf32>,
    %broadcast_in_dim3A_169 = arith.constant 0.000000e+00 : f32
    %broadcast_in_dim3A_170 = vector.broadcast %broadcast_in_dim3A_169 : f32 to vector<16xf32>
    %swap3A_171 = arith.constant 448 : index
    %swap3A_172 = tpu.vector_load %arg12[%swap3A_171] {strides = array<i32>} : memref<640xf32, #tpu.memory_space<vmem>>, vector<16xf32>,
    %swap3A_173 = vector.shape_cast %swap3A_172 : vector<16xf32> to vector<16xf32>
    %swap3A_174 = vector.shape_cast %broadcast_in_dim3A_170 : vector<16xf32> to vector<16xf32>
    tpu.vector_store %arg12[%swap3A_171], %swap3A_174 {strides = array<i32>} : memref<640xf32, #tpu.memory_space<vmem>>, vector<16xf32>,
    %broadcast_in_dim3A_175 = arith.constant 0.000000e+00 : f32
    %broadcast_in_dim3A_176 = vector.broadcast %broadcast_in_dim3A_175 : f32 to vector<16xf32>
    %swap3A_177 = arith.constant 464 : index
    %swap3A_178 = tpu.vector_load %arg12[%swap3A_177] {strides = array<i32>} : memref<640xf32, #tpu.memory_space<vmem>>, vector<16xf32>,
    %swap3A_179 = vector.shape_cast %swap3A_178 : vector<16xf32> to vector<16xf32>
    %swap3A_180 = vector.shape_cast %broadcast_in_dim3A_176 : vector<16xf32> to vector<16xf32>
    tpu.vector_store %arg12[%swap3A_177], %swap3A_180 {strides = array<i32>} : memref<640xf32, #tpu.memory_space<vmem>>, vector<16xf32>,
    %broadcast_in_dim3A_181 = arith.constant 0.000000e+00 : f32
    %broadcast_in_dim3A_182 = vector.broadcast %broadcast_in_dim3A_181 : f32 to vector<16xf32>
    %swap3A_183 = arith.constant 480 : index
    %swap3A_184 = tpu.vector_load %arg12[%swap3A_183] {strides = array<i32>} : memref<640xf32, #tpu.memory_space<vmem>>, vector<16xf32>,
    %swap3A_185 = vector.shape_cast %swap3A_184 : vector<16xf32> to vector<16xf32>
    %swap3A_186 = vector.shape_cast %broadcast_in_dim3A_182 : vector<16xf32> to vector<16xf32>
    tpu.vector_store %arg12[%swap3A_183], %swap3A_186 {strides = array<i32>} : memref<640xf32, #tpu.memory_space<vmem>>, vector<16xf32>,
    %broadcast_in_dim3A_187 = arith.constant 0.000000e+00 : f32
    %broadcast_in_dim3A_188 = vector.broadcast %broadcast_in_dim3A_187 : f32 to vector<16xf32>
    %swap3A_189 = arith.constant 496 : index
    %swap3A_190 = tpu.vector_load %arg12[%swap3A_189] {strides = array<i32>} : memref<640xf32, #tpu.memory_space<vmem>>, vector<16xf32>,
    %swap3A_191 = vector.shape_cast %swap3A_190 : vector<16xf32> to vector<16xf32>
    %swap3A_192 = vector.shape_cast %broadcast_in_dim3A_188 : vector<16xf32> to vector<16xf32>
    tpu.vector_store %arg12[%swap3A_189], %swap3A_192 {strides = array<i32>} : memref<640xf32, #tpu.memory_space<vmem>>, vector<16xf32>,
    %broadcast_in_dim3A_193 = arith.constant 0.000000e+00 : f32
    %broadcast_in_dim3A_194 = vector.broadcast %broadcast_in_dim3A_193 : f32 to vector<16xf32>
    %swap3A_195 = arith.constant 512 : index
    %swap3A_196 = tpu.vector_load %arg12[%swap3A_195] {strides = array<i32>} : memref<640xf32, #tpu.memory_space<vmem>>, vector<16xf32>,
    %swap3A_197 = vector.shape_cast %swap3A_196 : vector<16xf32> to vector<16xf32>
    %swap3A_198 = vector.shape_cast %broadcast_in_dim3A_194 : vector<16xf32> to vector<16xf32>
    tpu.vector_store %arg12[%swap3A_195], %swap3A_198 {strides = array<i32>} : memref<640xf32, #tpu.memory_space<vmem>>, vector<16xf32>,
    %broadcast_in_dim3A_199 = arith.constant 0.000000e+00 : f32
    %broadcast_in_dim3A_200 = vector.broadcast %broadcast_in_dim3A_199 : f32 to vector<16xf32>
    %swap3A_201 = arith.constant 528 : index
    %swap3A_202 = tpu.vector_load %arg12[%swap3A_201] {strides = array<i32>} : memref<640xf32, #tpu.memory_space<vmem>>, vector<16xf32>,
    %swap3A_203 = vector.shape_cast %swap3A_202 : vector<16xf32> to vector<16xf32>
    %swap3A_204 = vector.shape_cast %broadcast_in_dim3A_200 : vector<16xf32> to vector<16xf32>
    tpu.vector_store %arg12[%swap3A_201], %swap3A_204 {strides = array<i32>} : memref<640xf32, #tpu.memory_space<vmem>>, vector<16xf32>,
    %broadcast_in_dim3A_205 = arith.constant 0.000000e+00 : f32
    %broadcast_in_dim3A_206 = vector.broadcast %broadcast_in_dim3A_205 : f32 to vector<16xf32>
    %swap3A_207 = arith.constant 544 : index
    %swap3A_208 = tpu.vector_load %arg12[%swap3A_207] {strides = array<i32>} : memref<640xf32, #tpu.memory_space<vmem>>, vector<16xf32>,
    %swap3A_209 = vector.shape_cast %swap3A_208 : vector<16xf32> to vector<16xf32>
    %swap3A_210 = vector.shape_cast %broadcast_in_dim3A_206 : vector<16xf32> to vector<16xf32>
    tpu.vector_store %arg12[%swap3A_207], %swap3A_210 {strides = array<i32>} : memref<640xf32, #tpu.memory_space<vmem>>, vector<16xf32>,
    %broadcast_in_dim3A_211 = arith.constant 0.000000e+00 : f32
    %broadcast_in_dim3A_212 = vector.broadcast %broadcast_in_dim3A_211 : f32 to vector<16xf32>
    %swap3A_213 = arith.constant 560 : index
    %swap3A_214 = tpu.vector_load %arg12[%swap3A_213] {strides = array<i32>} : memref<640xf32, #tpu.memory_space<vmem>>, vector<16xf32>,
    %swap3A_215 = vector.shape_cast %swap3A_214 : vector<16xf32> to vector<16xf32>
    %swap3A_216 = vector.shape_cast %broadcast_in_dim3A_212 : vector<16xf32> to vector<16xf32>
    tpu.vector_store %arg12[%swap3A_213], %swap3A_216 {strides = array<i32>} : memref<640xf32, #tpu.memory_space<vmem>>, vector<16xf32>,
    %broadcast_in_dim3A_217 = arith.constant 0.000000e+00 : f32
    %broadcast_in_dim3A_218 = vector.broadcast %broadcast_in_dim3A_217 : f32 to vector<16xf32>
    %swap3A_219 = arith.constant 576 : index
    %swap3A_220 = tpu.vector_load %arg12[%swap3A_219] {strides = array<i32>} : memref<640xf32, #tpu.memory_space<vmem>>, vector<16xf32>,
    %swap3A_221 = vector.shape_cast %swap3A_220 : vector<16xf32> to vector<16xf32>
    %swap3A_222 = vector.shape_cast %broadcast_in_dim3A_218 : vector<16xf32> to vector<16xf32>
    tpu.vector_store %arg12[%swap3A_219], %swap3A_222 {strides = array<i32>} : memref<640xf32, #tpu.memory_space<vmem>>, vector<16xf32>,
    %broadcast_in_dim3A_223 = arith.constant 0.000000e+00 : f32
    %broadcast_in_dim3A_224 = vector.broadcast %broadcast_in_dim3A_223 : f32 to vector<16xf32>
    %swap3A_225 = arith.constant 592 : index
    %swap3A_226 = tpu.vector_load %arg12[%swap3A_225] {strides = array<i32>} : memref<640xf32, #tpu.memory_space<vmem>>, vector<16xf32>,
    %swap3A_227 = vector.shape_cast %swap3A_226 : vector<16xf32> to vector<16xf32>
    %swap3A_228 = vector.shape_cast %broadcast_in_dim3A_224 : vector<16xf32> to vector<16xf32>
    tpu.vector_store %arg12[%swap3A_225], %swap3A_228 {strides = array<i32>} : memref<640xf32, #tpu.memory_space<vmem>>, vector<16xf32>,
    %broadcast_in_dim3A_229 = arith.constant 0.000000e+00 : f32
    %broadcast_in_dim3A_230 = vector.broadcast %broadcast_in_dim3A_229 : f32 to vector<16xf32>
    %swap3A_231 = arith.constant 608 : index
    %swap3A_232 = tpu.vector_load %arg12[%swap3A_231] {strides = array<i32>} : memref<640xf32, #tpu.memory_space<vmem>>, vector<16xf32>,
    %swap3A_233 = vector.shape_cast %swap3A_232 : vector<16xf32> to vector<16xf32>
    %swap3A_234 = vector.shape_cast %broadcast_in_dim3A_230 : vector<16xf32> to vector<16xf32>
    tpu.vector_store %arg12[%swap3A_231], %swap3A_234 {strides = array<i32>} : memref<640xf32, #tpu.memory_space<vmem>>, vector<16xf32>,
    %broadcast_in_dim3A_235 = arith.constant 0.000000e+00 : f32
    %broadcast_in_dim3A_236 = vector.broadcast %broadcast_in_dim3A_235 : f32 to vector<16xf32>
    %swap3A_237 = arith.constant 624 : index
    %swap3A_238 = tpu.vector_load %arg12[%swap3A_237] {strides = array<i32>} : memref<640xf32, #tpu.memory_space<vmem>>, vector<16xf32>,
    %swap3A_239 = vector.shape_cast %swap3A_238 : vector<16xf32> to vector<16xf32>
    %swap3A_240 = vector.shape_cast %broadcast_in_dim3A_236 : vector<16xf32> to vector<16xf32>
    tpu.vector_store %arg12[%swap3A_237], %swap3A_240 {strides = array<i32>} : memref<640xf32, #tpu.memory_space<vmem>>, vector<16xf32>,
    %mul3A_241 = arith.constant 640 : i32
    %mul3A_242 = arith.muli %arg1, %mul3A_241 : i32
    "tpu.region"() ({
      %run_scoped3A = tpu.sem_alloc : memref<!tpu.dma_semaphore, #tpu.memory_space<semaphore_mem>>
      %dma_start3A_529 = arith.constant 0 : i32
      %dma_start3A_530 = tpu.memref_slice %arg12[%dma_start3A_529] : memref<640xf32, #tpu.memory_space<vmem>> -> memref<640xf32, #tpu.memory_space<vmem>>
      %dma_start3A_531 = tpu.memref_slice %arg14[%mul3A_242] : memref<10240xf32, #tpu.memory_space<vmem_shared>> -> memref<640xf32, #tpu.memory_space<vmem_shared>>
      %dma_start3A_532 = tpu.memref_slice %arg14[%mul3A_242] : memref<10240xf32, #tpu.memory_space<vmem_shared>> -> memref<640xf32, #tpu.memory_space<vmem_shared>>
      %dma_start3A_533 = arith.constant 0 : i32
      %dma_start3A_534 = tpu.memref_slice %arg12[%dma_start3A_533] : memref<640xf32, #tpu.memory_space<vmem>> -> memref<640xf32, #tpu.memory_space<vmem>>
      tpu.enqueue_dma source(%dma_start3A_534 : memref<640xf32, #tpu.memory_space<vmem>>) target(%dma_start3A_532 : memref<640xf32, #tpu.memory_space<vmem_shared>>) target_semaphore(%run_scoped3A : memref<!tpu.dma_semaphore, #tpu.memory_space<semaphore_mem>>)
      %dma_wait3A_535 = arith.constant 0 : i32
      %dma_wait3A_536 = tpu.memref_slice %arg12[%dma_wait3A_535] : memref<640xf32, #tpu.memory_space<vmem>> -> memref<640xf32, #tpu.memory_space<vmem>>
      %dma_wait3A_537 = tpu.memref_slice %arg14[%mul3A_242] : memref<10240xf32, #tpu.memory_space<vmem_shared>> -> memref<640xf32, #tpu.memory_space<vmem_shared>>
      %dma_wait3A_538 = tpu.memref_slice %arg14[%mul3A_242] : memref<10240xf32, #tpu.memory_space<vmem_shared>> -> memref<640xf32, #tpu.memory_space<vmem_shared>>
      %dma_wait3A_539 = arith.constant 0 : i32
      %dma_wait3A_540 = tpu.memref_slice %arg12[%dma_wait3A_539] : memref<640xf32, #tpu.memory_space<vmem>> -> memref<640xf32, #tpu.memory_space<vmem>>
      tpu.wait_dma2 semaphore(%run_scoped3A : memref<!tpu.dma_semaphore, #tpu.memory_space<semaphore_mem>>) src(%dma_wait3A_540 : memref<640xf32, #tpu.memory_space<vmem>>) dst(%dma_wait3A_538 : memref<640xf32, #tpu.memory_space<vmem_shared>>)
      tpu.yield
    }) : () -> ()
    %broadcast_in_dim3A_243 = arith.constant 1.000000e+00 : f32
    %broadcast_in_dim3A_244 = vector.broadcast %broadcast_in_dim3A_243 : f32 to vector<16xf32>
    %swap3A_245 = arith.constant 0 : index
    %swap3A_246 = tpu.vector_load %arg11[%swap3A_245] {strides = array<i32>} : memref<80xf32, #tpu.memory_space<vmem>>, vector<16xf32>,
    %swap3A_247 = vector.shape_cast %swap3A_246 : vector<16xf32> to vector<16xf32>
    %swap3A_248 = vector.shape_cast %broadcast_in_dim3A_244 : vector<16xf32> to vector<16xf32>
    tpu.vector_store %arg11[%swap3A_245], %swap3A_248 {strides = array<i32>} : memref<80xf32, #tpu.memory_space<vmem>>, vector<16xf32>,
    %broadcast_in_dim3A_249 = arith.constant 1.000000e+00 : f32
    %broadcast_in_dim3A_250 = vector.broadcast %broadcast_in_dim3A_249 : f32 to vector<16xf32>
    %swap3A_251 = arith.constant 16 : index
    %swap3A_252 = tpu.vector_load %arg11[%swap3A_251] {strides = array<i32>} : memref<80xf32, #tpu.memory_space<vmem>>, vector<16xf32>,
    %swap3A_253 = vector.shape_cast %swap3A_252 : vector<16xf32> to vector<16xf32>
    %swap3A_254 = vector.shape_cast %broadcast_in_dim3A_250 : vector<16xf32> to vector<16xf32>
    tpu.vector_store %arg11[%swap3A_251], %swap3A_254 {strides = array<i32>} : memref<80xf32, #tpu.memory_space<vmem>>, vector<16xf32>,
    %broadcast_in_dim3A_255 = arith.constant 1.000000e+00 : f32
    %broadcast_in_dim3A_256 = vector.broadcast %broadcast_in_dim3A_255 : f32 to vector<16xf32>
    %swap3A_257 = arith.constant 32 : index
    %swap3A_258 = tpu.vector_load %arg11[%swap3A_257] {strides = array<i32>} : memref<80xf32, #tpu.memory_space<vmem>>, vector<16xf32>,
    %swap3A_259 = vector.shape_cast %swap3A_258 : vector<16xf32> to vector<16xf32>
    %swap3A_260 = vector.shape_cast %broadcast_in_dim3A_256 : vector<16xf32> to vector<16xf32>
    tpu.vector_store %arg11[%swap3A_257], %swap3A_260 {strides = array<i32>} : memref<80xf32, #tpu.memory_space<vmem>>, vector<16xf32>,
    %broadcast_in_dim3A_261 = arith.constant 1.000000e+00 : f32
    %broadcast_in_dim3A_262 = vector.broadcast %broadcast_in_dim3A_261 : f32 to vector<16xf32>
    %swap3A_263 = arith.constant 48 : index
    %swap3A_264 = tpu.vector_load %arg11[%swap3A_263] {strides = array<i32>} : memref<80xf32, #tpu.memory_space<vmem>>, vector<16xf32>,
    %swap3A_265 = vector.shape_cast %swap3A_264 : vector<16xf32> to vector<16xf32>
    %swap3A_266 = vector.shape_cast %broadcast_in_dim3A_262 : vector<16xf32> to vector<16xf32>
    tpu.vector_store %arg11[%swap3A_263], %swap3A_266 {strides = array<i32>} : memref<80xf32, #tpu.memory_space<vmem>>, vector<16xf32>,
    %broadcast_in_dim3A_267 = arith.constant 1.000000e+00 : f32
    %broadcast_in_dim3A_268 = vector.broadcast %broadcast_in_dim3A_267 : f32 to vector<16xf32>
    %swap3A_269 = arith.constant 64 : index
    %swap3A_270 = tpu.vector_load %arg11[%swap3A_269] {strides = array<i32>} : memref<80xf32, #tpu.memory_space<vmem>>, vector<16xf32>,
    %swap3A_271 = vector.shape_cast %swap3A_270 : vector<16xf32> to vector<16xf32>
    %swap3A_272 = vector.shape_cast %broadcast_in_dim3A_268 : vector<16xf32> to vector<16xf32>
    tpu.vector_store %arg11[%swap3A_269], %swap3A_272 {strides = array<i32>} : memref<80xf32, #tpu.memory_space<vmem>>, vector<16xf32>,
    %barrier3A = arith.constant 0 : index
    tpu.barrier barrier_id(%barrier3A)
    %mul3A_273 = arith.constant 10000 : i32
    %mul3A_274 = arith.muli %add3A, %mul3A_273 : i32
    %add3A_275 = arith.constant 0 : i32
    %add3A_276 = arith.addi %mul3A_274, %add3A_275 : i32
    %multiple_of3A = tpu.assume_multiple %add3A_276, 8 : i32
    %dma_start3A = arith.constant 0 : i32
    %dma_start3A_277 = arith.constant 0 : i32
    %dma_start3A_278 = arith.constant 0 : i32
    %dma_start3A_279 = tpu.memref_slice %arg8[%dma_start3A, %dma_start3A_278] : memref<4x80xi32, #tpu.memory_space<vmem>> -> memref<1x80xi32, #tpu.memory_space<vmem>>
    %dma_start3A_280 = tpu.memref_squeeze %dma_start3A_279 : memref<1x80xi32, #tpu.memory_space<vmem>> -> memref<80xi32, #tpu.memory_space<vmem>>
    %dma_start3A_281 = tpu.memref_slice %arg3[%multiple_of3A] : memref<320000xi32, #tpu.memory_space<hbm>> -> memref<80xi32, #tpu.memory_space<hbm>>
    %dma_start3A_282 = tpu.memref_slice %arg16[%dma_start3A_277] : memref<4x!tpu.dma_semaphore, #tpu.memory_space<semaphore_mem>> -> memref<1x!tpu.dma_semaphore, #tpu.memory_space<semaphore_mem>>
    %dma_start3A_283 = tpu.memref_squeeze %dma_start3A_282 : memref<1x!tpu.dma_semaphore, #tpu.memory_space<semaphore_mem>> -> memref<!tpu.dma_semaphore, #tpu.memory_space<semaphore_mem>>
    %dma_start3A_284 = arith.constant 0 : i32
    %dma_start3A_285 = tpu.memref_slice %arg8[%dma_start3A, %dma_start3A_284] : memref<4x80xi32, #tpu.memory_space<vmem>> -> memref<1x80xi32, #tpu.memory_space<vmem>>
    %dma_start3A_286 = tpu.memref_squeeze %dma_start3A_285 : memref<1x80xi32, #tpu.memory_space<vmem>> -> memref<80xi32, #tpu.memory_space<vmem>>
    %dma_start3A_287 = tpu.memref_slice %arg3[%multiple_of3A] : memref<320000xi32, #tpu.memory_space<hbm>> -> memref<80xi32, #tpu.memory_space<hbm>>
    tpu.enqueue_dma source(%dma_start3A_287 : memref<80xi32, #tpu.memory_space<hbm>>) target(%dma_start3A_286 : memref<80xi32, #tpu.memory_space<vmem>>) target_semaphore(%dma_start3A_283 : memref<!tpu.dma_semaphore, #tpu.memory_space<semaphore_mem>>)
    %dma_start3A_288 = arith.constant 0 : i32
    %dma_start3A_289 = arith.constant 0 : i32
    %dma_start3A_290 = arith.constant 0 : i32
    %dma_start3A_291 = tpu.memref_slice %arg9[%dma_start3A_288, %dma_start3A_290] : memref<4x80xi32, #tpu.memory_space<vmem>> -> memref<1x80xi32, #tpu.memory_space<vmem>>
    %dma_start3A_292 = tpu.memref_squeeze %dma_start3A_291 : memref<1x80xi32, #tpu.memory_space<vmem>> -> memref<80xi32, #tpu.memory_space<vmem>>
    %dma_start3A_293 = tpu.memref_slice %arg4[%multiple_of3A] : memref<320000xi32, #tpu.memory_space<hbm>> -> memref<80xi32, #tpu.memory_space<hbm>>
    %dma_start3A_294 = tpu.memref_slice %arg16[%dma_start3A_289] : memref<4x!tpu.dma_semaphore, #tpu.memory_space<semaphore_mem>> -> memref<1x!tpu.dma_semaphore, #tpu.memory_space<semaphore_mem>>
    %dma_start3A_295 = tpu.memref_squeeze %dma_start3A_294 : memref<1x!tpu.dma_semaphore, #tpu.memory_space<semaphore_mem>> -> memref<!tpu.dma_semaphore, #tpu.memory_space<semaphore_mem>>
    %dma_start3A_296 = arith.constant 0 : i32
    %dma_start3A_297 = tpu.memref_slice %arg9[%dma_start3A_288, %dma_start3A_296] : memref<4x80xi32, #tpu.memory_space<vmem>> -> memref<1x80xi32, #tpu.memory_space<vmem>>
    %dma_start3A_298 = tpu.memref_squeeze %dma_start3A_297 : memref<1x80xi32, #tpu.memory_space<vmem>> -> memref<80xi32, #tpu.memory_space<vmem>>
    %dma_start3A_299 = tpu.memref_slice %arg4[%multiple_of3A] : memref<320000xi32, #tpu.memory_space<hbm>> -> memref<80xi32, #tpu.memory_space<hbm>>
    tpu.enqueue_dma source(%dma_start3A_299 : memref<80xi32, #tpu.memory_space<hbm>>) target(%dma_start3A_298 : memref<80xi32, #tpu.memory_space<vmem>>) target_semaphore(%dma_start3A_295 : memref<!tpu.dma_semaphore, #tpu.memory_space<semaphore_mem>>)
    %mul3A_300 = arith.constant 10000 : i32
    %mul3A_301 = arith.muli %add3A, %mul3A_300 : i32
    %add3A_302 = arith.constant 80 : i32
    %add3A_303 = arith.addi %mul3A_301, %add3A_302 : i32
    %multiple_of3A_304 = tpu.assume_multiple %add3A_303, 8 : i32
    %dma_start3A_305 = arith.constant 1 : i32
    %dma_start3A_306 = arith.constant 1 : i32
    %dma_start3A_307 = arith.constant 0 : i32
    %dma_start3A_308 = tpu.memref_slice %arg8[%dma_start3A_305, %dma_start3A_307] : memref<4x80xi32, #tpu.memory_space<vmem>> -> memref<1x80xi32, #tpu.memory_space<vmem>>
    %dma_start3A_309 = tpu.memref_squeeze %dma_start3A_308 : memref<1x80xi32, #tpu.memory_space<vmem>> -> memref<80xi32, #tpu.memory_space<vmem>>
    %dma_start3A_310 = tpu.memref_slice %arg3[%multiple_of3A_304] : memref<320000xi32, #tpu.memory_space<hbm>> -> memref<80xi32, #tpu.memory_space<hbm>>
    %dma_start3A_311 = tpu.memref_slice %arg16[%dma_start3A_306] : memref<4x!tpu.dma_semaphore, #tpu.memory_space<semaphore_mem>> -> memref<1x!tpu.dma_semaphore, #tpu.memory_space<semaphore_mem>>
    %dma_start3A_312 = tpu.memref_squeeze %dma_start3A_311 : memref<1x!tpu.dma_semaphore, #tpu.memory_space<semaphore_mem>> -> memref<!tpu.dma_semaphore, #tpu.memory_space<semaphore_mem>>
    %dma_start3A_313 = arith.constant 0 : i32
    %dma_start3A_314 = tpu.memref_slice %arg8[%dma_start3A_305, %dma_start3A_313] : memref<4x80xi32, #tpu.memory_space<vmem>> -> memref<1x80xi32, #tpu.memory_space<vmem>>
    %dma_start3A_315 = tpu.memref_squeeze %dma_start3A_314 : memref<1x80xi32, #tpu.memory_space<vmem>> -> memref<80xi32, #tpu.memory_space<vmem>>
    %dma_start3A_316 = tpu.memref_slice %arg3[%multiple_of3A_304] : memref<320000xi32, #tpu.memory_space<hbm>> -> memref<80xi32, #tpu.memory_space<hbm>>
    tpu.enqueue_dma source(%dma_start3A_316 : memref<80xi32, #tpu.memory_space<hbm>>) target(%dma_start3A_315 : memref<80xi32, #tpu.memory_space<vmem>>) target_semaphore(%dma_start3A_312 : memref<!tpu.dma_semaphore, #tpu.memory_space<semaphore_mem>>)
    %dma_start3A_317 = arith.constant 1 : i32
    %dma_start3A_318 = arith.constant 1 : i32
    %dma_start3A_319 = arith.constant 0 : i32
    %dma_start3A_320 = tpu.memref_slice %arg9[%dma_start3A_317, %dma_start3A_319] : memref<4x80xi32, #tpu.memory_space<vmem>> -> memref<1x80xi32, #tpu.memory_space<vmem>>
    %dma_start3A_321 = tpu.memref_squeeze %dma_start3A_320 : memref<1x80xi32, #tpu.memory_space<vmem>> -> memref<80xi32, #tpu.memory_space<vmem>>
    %dma_start3A_322 = tpu.memref_slice %arg4[%multiple_of3A_304] : memref<320000xi32, #tpu.memory_space<hbm>> -> memref<80xi32, #tpu.memory_space<hbm>>
    %dma_start3A_323 = tpu.memref_slice %arg16[%dma_start3A_318] : memref<4x!tpu.dma_semaphore, #tpu.memory_space<semaphore_mem>> -> memref<1x!tpu.dma_semaphore, #tpu.memory_space<semaphore_mem>>
    %dma_start3A_324 = tpu.memref_squeeze %dma_start3A_323 : memref<1x!tpu.dma_semaphore, #tpu.memory_space<semaphore_mem>> -> memref<!tpu.dma_semaphore, #tpu.memory_space<semaphore_mem>>
    %dma_start3A_325 = arith.constant 0 : i32
    %dma_start3A_326 = tpu.memref_slice %arg9[%dma_start3A_317, %dma_start3A_325] : memref<4x80xi32, #tpu.memory_space<vmem>> -> memref<1x80xi32, #tpu.memory_space<vmem>>
    %dma_start3A_327 = tpu.memref_squeeze %dma_start3A_326 : memref<1x80xi32, #tpu.memory_space<vmem>> -> memref<80xi32, #tpu.memory_space<vmem>>
    %dma_start3A_328 = tpu.memref_slice %arg4[%multiple_of3A_304] : memref<320000xi32, #tpu.memory_space<hbm>> -> memref<80xi32, #tpu.memory_space<hbm>>
    tpu.enqueue_dma source(%dma_start3A_328 : memref<80xi32, #tpu.memory_space<hbm>>) target(%dma_start3A_327 : memref<80xi32, #tpu.memory_space<vmem>>) target_semaphore(%dma_start3A_324 : memref<!tpu.dma_semaphore, #tpu.memory_space<semaphore_mem>>)
    %mul3A_329 = arith.constant 10000 : i32
    %mul3A_330 = arith.muli %add3A, %mul3A_329 : i32
    %add3A_331 = arith.constant 160 : i32
    %add3A_332 = arith.addi %mul3A_330, %add3A_331 : i32
    %multiple_of3A_333 = tpu.assume_multiple %add3A_332, 8 : i32
    %dma_start3A_334 = arith.constant 2 : i32
    %dma_start3A_335 = arith.constant 2 : i32
    %dma_start3A_336 = arith.constant 0 : i32
    %dma_start3A_337 = tpu.memref_slice %arg8[%dma_start3A_334, %dma_start3A_336] : memref<4x80xi32, #tpu.memory_space<vmem>> -> memref<1x80xi32, #tpu.memory_space<vmem>>
    %dma_start3A_338 = tpu.memref_squeeze %dma_start3A_337 : memref<1x80xi32, #tpu.memory_space<vmem>> -> memref<80xi32, #tpu.memory_space<vmem>>
    %dma_start3A_339 = tpu.memref_slice %arg3[%multiple_of3A_333] : memref<320000xi32, #tpu.memory_space<hbm>> -> memref<80xi32, #tpu.memory_space<hbm>>
    %dma_start3A_340 = tpu.memref_slice %arg16[%dma_start3A_335] : memref<4x!tpu.dma_semaphore, #tpu.memory_space<semaphore_mem>> -> memref<1x!tpu.dma_semaphore, #tpu.memory_space<semaphore_mem>>
    %dma_start3A_341 = tpu.memref_squeeze %dma_start3A_340 : memref<1x!tpu.dma_semaphore, #tpu.memory_space<semaphore_mem>> -> memref<!tpu.dma_semaphore, #tpu.memory_space<semaphore_mem>>
    %dma_start3A_342 = arith.constant 0 : i32
    %dma_start3A_343 = tpu.memref_slice %arg8[%dma_start3A_334, %dma_start3A_342] : memref<4x80xi32, #tpu.memory_space<vmem>> -> memref<1x80xi32, #tpu.memory_space<vmem>>
    %dma_start3A_344 = tpu.memref_squeeze %dma_start3A_343 : memref<1x80xi32, #tpu.memory_space<vmem>> -> memref<80xi32, #tpu.memory_space<vmem>>
    %dma_start3A_345 = tpu.memref_slice %arg3[%multiple_of3A_333] : memref<320000xi32, #tpu.memory_space<hbm>> -> memref<80xi32, #tpu.memory_space<hbm>>
    tpu.enqueue_dma source(%dma_start3A_345 : memref<80xi32, #tpu.memory_space<hbm>>) target(%dma_start3A_344 : memref<80xi32, #tpu.memory_space<vmem>>) target_semaphore(%dma_start3A_341 : memref<!tpu.dma_semaphore, #tpu.memory_space<semaphore_mem>>)
    %dma_start3A_346 = arith.constant 2 : i32
    %dma_start3A_347 = arith.constant 2 : i32
    %dma_start3A_348 = arith.constant 0 : i32
    %dma_start3A_349 = tpu.memref_slice %arg9[%dma_start3A_346, %dma_start3A_348] : memref<4x80xi32, #tpu.memory_space<vmem>> -> memref<1x80xi32, #tpu.memory_space<vmem>>
    %dma_start3A_350 = tpu.memref_squeeze %dma_start3A_349 : memref<1x80xi32, #tpu.memory_space<vmem>> -> memref<80xi32, #tpu.memory_space<vmem>>
    %dma_start3A_351 = tpu.memref_slice %arg4[%multiple_of3A_333] : memref<320000xi32, #tpu.memory_space<hbm>> -> memref<80xi32, #tpu.memory_space<hbm>>
    %dma_start3A_352 = tpu.memref_slice %arg16[%dma_start3A_347] : memref<4x!tpu.dma_semaphore, #tpu.memory_space<semaphore_mem>> -> memref<1x!tpu.dma_semaphore, #tpu.memory_space<semaphore_mem>>
    %dma_start3A_353 = tpu.memref_squeeze %dma_start3A_352 : memref<1x!tpu.dma_semaphore, #tpu.memory_space<semaphore_mem>> -> memref<!tpu.dma_semaphore, #tpu.memory_space<semaphore_mem>>
    %dma_start3A_354 = arith.constant 0 : i32
    %dma_start3A_355 = tpu.memref_slice %arg9[%dma_start3A_346, %dma_start3A_354] : memref<4x80xi32, #tpu.memory_space<vmem>> -> memref<1x80xi32, #tpu.memory_space<vmem>>
    %dma_start3A_356 = tpu.memref_squeeze %dma_start3A_355 : memref<1x80xi32, #tpu.memory_space<vmem>> -> memref<80xi32, #tpu.memory_space<vmem>>
    %dma_start3A_357 = tpu.memref_slice %arg4[%multiple_of3A_333] : memref<320000xi32, #tpu.memory_space<hbm>> -> memref<80xi32, #tpu.memory_space<hbm>>
    tpu.enqueue_dma source(%dma_start3A_357 : memref<80xi32, #tpu.memory_space<hbm>>) target(%dma_start3A_356 : memref<80xi32, #tpu.memory_space<vmem>>) target_semaphore(%dma_start3A_353 : memref<!tpu.dma_semaphore, #tpu.memory_space<semaphore_mem>>)
    %mul3A_358 = arith.constant 10000 : i32
    %mul3A_359 = arith.muli %add3A, %mul3A_358 : i32
    %add3A_360 = arith.constant 240 : i32
    %add3A_361 = arith.addi %mul3A_359, %add3A_360 : i32
    %multiple_of3A_362 = tpu.assume_multiple %add3A_361, 8 : i32
    %dma_start3A_363 = arith.constant 3 : i32
    %dma_start3A_364 = arith.constant 3 : i32
    %dma_start3A_365 = arith.constant 0 : i32
    %dma_start3A_366 = tpu.memref_slice %arg8[%dma_start3A_363, %dma_start3A_365] : memref<4x80xi32, #tpu.memory_space<vmem>> -> memref<1x80xi32, #tpu.memory_space<vmem>>
    %dma_start3A_367 = tpu.memref_squeeze %dma_start3A_366 : memref<1x80xi32, #tpu.memory_space<vmem>> -> memref<80xi32, #tpu.memory_space<vmem>>
    %dma_start3A_368 = tpu.memref_slice %arg3[%multiple_of3A_362] : memref<320000xi32, #tpu.memory_space<hbm>> -> memref<80xi32, #tpu.memory_space<hbm>>
    %dma_start3A_369 = tpu.memref_slice %arg16[%dma_start3A_364] : memref<4x!tpu.dma_semaphore, #tpu.memory_space<semaphore_mem>> -> memref<1x!tpu.dma_semaphore, #tpu.memory_space<semaphore_mem>>
    %dma_start3A_370 = tpu.memref_squeeze %dma_start3A_369 : memref<1x!tpu.dma_semaphore, #tpu.memory_space<semaphore_mem>> -> memref<!tpu.dma_semaphore, #tpu.memory_space<semaphore_mem>>
    %dma_start3A_371 = arith.constant 0 : i32
    %dma_start3A_372 = tpu.memref_slice %arg8[%dma_start3A_363, %dma_start3A_371] : memref<4x80xi32, #tpu.memory_space<vmem>> -> memref<1x80xi32, #tpu.memory_space<vmem>>
    %dma_start3A_373 = tpu.memref_squeeze %dma_start3A_372 : memref<1x80xi32, #tpu.memory_space<vmem>> -> memref<80xi32, #tpu.memory_space<vmem>>
    %dma_start3A_374 = tpu.memref_slice %arg3[%multiple_of3A_362] : memref<320000xi32, #tpu.memory_space<hbm>> -> memref<80xi32, #tpu.memory_space<hbm>>
    tpu.enqueue_dma source(%dma_start3A_374 : memref<80xi32, #tpu.memory_space<hbm>>) target(%dma_start3A_373 : memref<80xi32, #tpu.memory_space<vmem>>) target_semaphore(%dma_start3A_370 : memref<!tpu.dma_semaphore, #tpu.memory_space<semaphore_mem>>)
    %dma_start3A_375 = arith.constant 3 : i32
    %dma_start3A_376 = arith.constant 3 : i32
    %dma_start3A_377 = arith.constant 0 : i32
    %dma_start3A_378 = tpu.memref_slice %arg9[%dma_start3A_375, %dma_start3A_377] : memref<4x80xi32, #tpu.memory_space<vmem>> -> memref<1x80xi32, #tpu.memory_space<vmem>>
    %dma_start3A_379 = tpu.memref_squeeze %dma_start3A_378 : memref<1x80xi32, #tpu.memory_space<vmem>> -> memref<80xi32, #tpu.memory_space<vmem>>
    %dma_start3A_380 = tpu.memref_slice %arg4[%multiple_of3A_362] : memref<320000xi32, #tpu.memory_space<hbm>> -> memref<80xi32, #tpu.memory_space<hbm>>
    %dma_start3A_381 = tpu.memref_slice %arg16[%dma_start3A_376] : memref<4x!tpu.dma_semaphore, #tpu.memory_space<semaphore_mem>> -> memref<1x!tpu.dma_semaphore, #tpu.memory_space<semaphore_mem>>
    %dma_start3A_382 = tpu.memref_squeeze %dma_start3A_381 : memref<1x!tpu.dma_semaphore, #tpu.memory_space<semaphore_mem>> -> memref<!tpu.dma_semaphore, #tpu.memory_space<semaphore_mem>>
    %dma_start3A_383 = arith.constant 0 : i32
    %dma_start3A_384 = tpu.memref_slice %arg9[%dma_start3A_375, %dma_start3A_383] : memref<4x80xi32, #tpu.memory_space<vmem>> -> memref<1x80xi32, #tpu.memory_space<vmem>>
    %dma_start3A_385 = tpu.memref_squeeze %dma_start3A_384 : memref<1x80xi32, #tpu.memory_space<vmem>> -> memref<80xi32, #tpu.memory_space<vmem>>
    %dma_start3A_386 = tpu.memref_slice %arg4[%multiple_of3A_362] : memref<320000xi32, #tpu.memory_space<hbm>> -> memref<80xi32, #tpu.memory_space<hbm>>
    tpu.enqueue_dma source(%dma_start3A_386 : memref<80xi32, #tpu.memory_space<hbm>>) target(%dma_start3A_385 : memref<80xi32, #tpu.memory_space<vmem>>) target_semaphore(%dma_start3A_382 : memref<!tpu.dma_semaphore, #tpu.memory_space<semaphore_mem>>)
    %dma_wait3A = arith.constant 0 : i32
    %dma_wait3A_387 = arith.constant 0 : i32
    %dma_wait3A_388 = arith.constant 0 : i32
    %dma_wait3A_389 = tpu.memref_slice %arg8[%dma_wait3A, %dma_wait3A_388] : memref<4x80xi32, #tpu.memory_space<vmem>> -> memref<1x80xi32, #tpu.memory_space<vmem>>
    %dma_wait3A_390 = tpu.memref_squeeze %dma_wait3A_389 : memref<1x80xi32, #tpu.memory_space<vmem>> -> memref<80xi32, #tpu.memory_space<vmem>>
    %dma_wait3A_391 = arith.constant 0 : i32
    %dma_wait3A_392 = tpu.memref_slice %arg3[%dma_wait3A_391] : memref<320000xi32, #tpu.memory_space<hbm>> -> memref<80xi32, #tpu.memory_space<hbm>>
    %dma_wait3A_393 = tpu.memref_slice %arg16[%dma_wait3A_387] : memref<4x!tpu.dma_semaphore, #tpu.memory_space<semaphore_mem>> -> memref<1x!tpu.dma_semaphore, #tpu.memory_space<semaphore_mem>>
    %dma_wait3A_394 = tpu.memref_squeeze %dma_wait3A_393 : memref<1x!tpu.dma_semaphore, #tpu.memory_space<semaphore_mem>> -> memref<!tpu.dma_semaphore, #tpu.memory_space<semaphore_mem>>
    %dma_wait3A_395 = arith.constant 0 : i32
    %dma_wait3A_396 = tpu.memref_slice %arg8[%dma_wait3A, %dma_wait3A_395] : memref<4x80xi32, #tpu.memory_space<vmem>> -> memref<1x80xi32, #tpu.memory_space<vmem>>
    %dma_wait3A_397 = tpu.memref_squeeze %dma_wait3A_396 : memref<1x80xi32, #tpu.memory_space<vmem>> -> memref<80xi32, #tpu.memory_space<vmem>>
    %dma_wait3A_398 = arith.constant 0 : i32
    %dma_wait3A_399 = tpu.memref_slice %arg3[%dma_wait3A_398] : memref<320000xi32, #tpu.memory_space<hbm>> -> memref<80xi32, #tpu.memory_space<hbm>>
    tpu.wait_dma2 semaphore(%dma_wait3A_394 : memref<!tpu.dma_semaphore, #tpu.memory_space<semaphore_mem>>) src(%dma_wait3A_399 : memref<80xi32, #tpu.memory_space<hbm>>) dst(%dma_wait3A_397 : memref<80xi32, #tpu.memory_space<vmem>>)
    %dma_wait3A_400 = arith.constant 0 : i32
    %dma_wait3A_401 = arith.constant 0 : i32
    %dma_wait3A_402 = arith.constant 0 : i32
    %dma_wait3A_403 = tpu.memref_slice %arg9[%dma_wait3A_400, %dma_wait3A_402] : memref<4x80xi32, #tpu.memory_space<vmem>> -> memref<1x80xi32, #tpu.memory_space<vmem>>
    %dma_wait3A_404 = tpu.memref_squeeze %dma_wait3A_403 : memref<1x80xi32, #tpu.memory_space<vmem>> -> memref<80xi32, #tpu.memory_space<vmem>>
    %dma_wait3A_405 = arith.constant 0 : i32
    %dma_wait3A_406 = tpu.memref_slice %arg4[%dma_wait3A_405] : memref<320000xi32, #tpu.memory_space<hbm>> -> memref<80xi32, #tpu.memory_space<hbm>>
    %dma_wait3A_407 = tpu.memref_slice %arg16[%dma_wait3A_401] : memref<4x!tpu.dma_semaphore, #tpu.memory_space<semaphore_mem>> -> memref<1x!tpu.dma_semaphore, #tpu.memory_space<semaphore_mem>>
    %dma_wait3A_408 = tpu.memref_squeeze %dma_wait3A_407 : memref<1x!tpu.dma_semaphore, #tpu.memory_space<semaphore_mem>> -> memref<!tpu.dma_semaphore, #tpu.memory_space<semaphore_mem>>
    %dma_wait3A_409 = arith.constant 0 : i32
    %dma_wait3A_410 = tpu.memref_slice %arg9[%dma_wait3A_400, %dma_wait3A_409] : memref<4x80xi32, #tpu.memory_space<vmem>> -> memref<1x80xi32, #tpu.memory_space<vmem>>
    %dma_wait3A_411 = tpu.memref_squeeze %dma_wait3A_410 : memref<1x80xi32, #tpu.memory_space<vmem>> -> memref<80xi32, #tpu.memory_space<vmem>>
    %dma_wait3A_412 = arith.constant 0 : i32
    %dma_wait3A_413 = tpu.memref_slice %arg4[%dma_wait3A_412] : memref<320000xi32, #tpu.memory_space<hbm>> -> memref<80xi32, #tpu.memory_space<hbm>>
    tpu.wait_dma2 semaphore(%dma_wait3A_408 : memref<!tpu.dma_semaphore, #tpu.memory_space<semaphore_mem>>) src(%dma_wait3A_413 : memref<80xi32, #tpu.memory_space<hbm>>) dst(%dma_wait3A_411 : memref<80xi32, #tpu.memory_space<vmem>>)
    %dma_start3A_414 = arith.constant 0 : i32
    %dma_start3A_415 = arith.constant 0 : i32
    %dma_start3A_416 = arith.constant 0 : i32
    %dma_start3A_417 = arith.constant 0 : i32
    %dma_start3A_418 = arith.constant 0 : i32
    %dma_start3A_419 = tpu.memref_slice %arg10[%dma_start3A_415, %dma_start3A_417, %dma_start3A_418] : memref<4x80x128xf32, #tpu.memory_space<vmem>> -> memref<1x80x128xf32, #tpu.memory_space<vmem>>
    %dma_start3A_420 = tpu.memref_squeeze %dma_start3A_419 : memref<1x80x128xf32, #tpu.memory_space<vmem>> -> memref<80x128xf32, #tpu.memory_space<vmem>>
    %dma_start3A_421 = arith.constant 0 : i32
    %dma_start3A_422 = tpu.memref_slice %arg8[%dma_start3A_414, %dma_start3A_421] : memref<4x80xi32, #tpu.memory_space<vmem>> -> memref<1x80xi32, #tpu.memory_space<vmem>>
    %dma_start3A_423 = tpu.memref_squeeze %dma_start3A_422 : memref<1x80xi32, #tpu.memory_space<vmem>> -> memref<80xi32, #tpu.memory_space<vmem>>
    %dma_start3A_424 = arith.constant 0 : i32
    %dma_start3A_425 = arith.constant 0 : i32
    %dma_start3A_426 = tpu.memref_slice %arg2[%dma_start3A_424, %dma_start3A_425] : memref<10000x128xf32, #tpu.memory_space<hbm>> -> memref<10000x128xf32, #tpu.memory_space<hbm>>
    %dma_start3A_427 = tpu.memref_slice %arg15[%dma_start3A_416] : memref<4x!tpu.dma_semaphore, #tpu.memory_space<semaphore_mem>> -> memref<1x!tpu.dma_semaphore, #tpu.memory_space<semaphore_mem>>
    %dma_start3A_428 = tpu.memref_squeeze %dma_start3A_427 : memref<1x!tpu.dma_semaphore, #tpu.memory_space<semaphore_mem>> -> memref<!tpu.dma_semaphore, #tpu.memory_space<semaphore_mem>>
    tpu.enqueue_indirect_dma source(%dma_start3A_426 : memref<10000x128xf32, #tpu.memory_space<hbm>>) target(%dma_start3A_420 : memref<80x128xf32, #tpu.memory_space<vmem>>) offsets(%dma_start3A_423 : memref<80xi32, #tpu.memory_space<vmem>>) semaphore(%dma_start3A_428 : memref<!tpu.dma_semaphore, #tpu.memory_space<semaphore_mem>>)
    %dma_wait3A_429 = arith.constant 1 : i32
    %dma_wait3A_430 = arith.constant 1 : i32
    %dma_wait3A_431 = arith.constant 0 : i32
    %dma_wait3A_432 = tpu.memref_slice %arg8[%dma_wait3A_429, %dma_wait3A_431] : memref<4x80xi32, #tpu.memory_space<vmem>> -> memref<1x80xi32, #tpu.memory_space<vmem>>
    %dma_wait3A_433 = tpu.memref_squeeze %dma_wait3A_432 : memref<1x80xi32, #tpu.memory_space<vmem>> -> memref<80xi32, #tpu.memory_space<vmem>>
    %dma_wait3A_434 = arith.constant 0 : i32
    %dma_wait3A_435 = tpu.memref_slice %arg3[%dma_wait3A_434] : memref<320000xi32, #tpu.memory_space<hbm>> -> memref<80xi32, #tpu.memory_space<hbm>>
    %dma_wait3A_436 = tpu.memref_slice %arg16[%dma_wait3A_430] : memref<4x!tpu.dma_semaphore, #tpu.memory_space<semaphore_mem>> -> memref<1x!tpu.dma_semaphore, #tpu.memory_space<semaphore_mem>>
    %dma_wait3A_437 = tpu.memref_squeeze %dma_wait3A_436 : memref<1x!tpu.dma_semaphore, #tpu.memory_space<semaphore_mem>> -> memref<!tpu.dma_semaphore, #tpu.memory_space<semaphore_mem>>
    %dma_wait3A_438 = arith.constant 0 : i32
    %dma_wait3A_439 = tpu.memref_slice %arg8[%dma_wait3A_429, %dma_wait3A_438] : memref<4x80xi32, #tpu.memory_space<vmem>> -> memref<1x80xi32, #tpu.memory_space<vmem>>
    %dma_wait3A_440 = tpu.memref_squeeze %dma_wait3A_439 : memref<1x80xi32, #tpu.memory_space<vmem>> -> memref<80xi32, #tpu.memory_space<vmem>>
    %dma_wait3A_441 = arith.constant 0 : i32
    %dma_wait3A_442 = tpu.memref_slice %arg3[%dma_wait3A_441] : memref<320000xi32, #tpu.memory_space<hbm>> -> memref<80xi32, #tpu.memory_space<hbm>>
    tpu.wait_dma2 semaphore(%dma_wait3A_437 : memref<!tpu.dma_semaphore, #tpu.memory_space<semaphore_mem>>) src(%dma_wait3A_442 : memref<80xi32, #tpu.memory_space<hbm>>) dst(%dma_wait3A_440 : memref<80xi32, #tpu.memory_space<vmem>>)
    %dma_wait3A_443 = arith.constant 1 : i32
    %dma_wait3A_444 = arith.constant 1 : i32
    %dma_wait3A_445 = arith.constant 0 : i32
    %dma_wait3A_446 = tpu.memref_slice %arg9[%dma_wait3A_443, %dma_wait3A_445] : memref<4x80xi32, #tpu.memory_space<vmem>> -> memref<1x80xi32, #tpu.memory_space<vmem>>
    %dma_wait3A_447 = tpu.memref_squeeze %dma_wait3A_446 : memref<1x80xi32, #tpu.memory_space<vmem>> -> memref<80xi32, #tpu.memory_space<vmem>>
    %dma_wait3A_448 = arith.constant 0 : i32
    %dma_wait3A_449 = tpu.memref_slice %arg4[%dma_wait3A_448] : memref<320000xi32, #tpu.memory_space<hbm>> -> memref<80xi32, #tpu.memory_space<hbm>>
    %dma_wait3A_450 = tpu.memref_slice %arg16[%dma_wait3A_444] : memref<4x!tpu.dma_semaphore, #tpu.memory_space<semaphore_mem>> -> memref<1x!tpu.dma_semaphore, #tpu.memory_space<semaphore_mem>>
    %dma_wait3A_451 = tpu.memref_squeeze %dma_wait3A_450 : memref<1x!tpu.dma_semaphore, #tpu.memory_space<semaphore_mem>> -> memref<!tpu.dma_semaphore, #tpu.memory_space<semaphore_mem>>
    %dma_wait3A_452 = arith.constant 0 : i32
    %dma_wait3A_453 = tpu.memref_slice %arg9[%dma_wait3A_443, %dma_wait3A_452] : memref<4x80xi32, #tpu.memory_space<vmem>> -> memref<1x80xi32, #tpu.memory_space<vmem>>
    %dma_wait3A_454 = tpu.memref_squeeze %dma_wait3A_453 : memref<1x80xi32, #tpu.memory_space<vmem>> -> memref<80xi32, #tpu.memory_space<vmem>>
    %dma_wait3A_455 = arith.constant 0 : i32
    %dma_wait3A_456 = tpu.memref_slice %arg4[%dma_wait3A_455] : memref<320000xi32, #tpu.memory_space<hbm>> -> memref<80xi32, #tpu.memory_space<hbm>>
    tpu.wait_dma2 semaphore(%dma_wait3A_451 : memref<!tpu.dma_semaphore, #tpu.memory_space<semaphore_mem>>) src(%dma_wait3A_456 : memref<80xi32, #tpu.memory_space<hbm>>) dst(%dma_wait3A_454 : memref<80xi32, #tpu.memory_space<vmem>>)
    %dma_start3A_457 = arith.constant 1 : i32
    %dma_start3A_458 = arith.constant 1 : i32
    %dma_start3A_459 = arith.constant 1 : i32
    %dma_start3A_460 = arith.constant 0 : i32
    %dma_start3A_461 = arith.constant 0 : i32
    %dma_start3A_462 = tpu.memref_slice %arg10[%dma_start3A_458, %dma_start3A_460, %dma_start3A_461] : memref<4x80x128xf32, #tpu.memory_space<vmem>> -> memref<1x80x128xf32, #tpu.memory_space<vmem>>
    %dma_start3A_463 = tpu.memref_squeeze %dma_start3A_462 : memref<1x80x128xf32, #tpu.memory_space<vmem>> -> memref<80x128xf32, #tpu.memory_space<vmem>>
    %dma_start3A_464 = arith.constant 0 : i32
    %dma_start3A_465 = tpu.memref_slice %arg8[%dma_start3A_457, %dma_start3A_464] : memref<4x80xi32, #tpu.memory_space<vmem>> -> memref<1x80xi32, #tpu.memory_space<vmem>>
    %dma_start3A_466 = tpu.memref_squeeze %dma_start3A_465 : memref<1x80xi32, #tpu.memory_space<vmem>> -> memref<80xi32, #tpu.memory_space<vmem>>
    %dma_start3A_467 = arith.constant 0 : i32
    %dma_start3A_468 = arith.constant 0 : i32
    %dma_start3A_469 = tpu.memref_slice %arg2[%dma_start3A_467, %dma_start3A_468] : memref<10000x128xf32, #tpu.memory_space<hbm>> -> memref<10000x128xf32, #tpu.memory_space<hbm>>
    %dma_start3A_470 = tpu.memref_slice %arg15[%dma_start3A_459] : memref<4x!tpu.dma_semaphore, #tpu.memory_space<semaphore_mem>> -> memref<1x!tpu.dma_semaphore, #tpu.memory_space<semaphore_mem>>
    %dma_start3A_471 = tpu.memref_squeeze %dma_start3A_470 : memref<1x!tpu.dma_semaphore, #tpu.memory_space<semaphore_mem>> -> memref<!tpu.dma_semaphore, #tpu.memory_space<semaphore_mem>>
    tpu.enqueue_indirect_dma source(%dma_start3A_469 : memref<10000x128xf32, #tpu.memory_space<hbm>>) target(%dma_start3A_463 : memref<80x128xf32, #tpu.memory_space<vmem>>) offsets(%dma_start3A_466 : memref<80xi32, #tpu.memory_space<vmem>>) semaphore(%dma_start3A_471 : memref<!tpu.dma_semaphore, #tpu.memory_space<semaphore_mem>>)
    %dma_wait3A_472 = arith.constant 2 : i32
    %dma_wait3A_473 = arith.constant 2 : i32
    %dma_wait3A_474 = arith.constant 0 : i32
    %dma_wait3A_475 = tpu.memref_slice %arg8[%dma_wait3A_472, %dma_wait3A_474] : memref<4x80xi32, #tpu.memory_space<vmem>> -> memref<1x80xi32, #tpu.memory_space<vmem>>
    %dma_wait3A_476 = tpu.memref_squeeze %dma_wait3A_475 : memref<1x80xi32, #tpu.memory_space<vmem>> -> memref<80xi32, #tpu.memory_space<vmem>>
    %dma_wait3A_477 = arith.constant 0 : i32
    %dma_wait3A_478 = tpu.memref_slice %arg3[%dma_wait3A_477] : memref<320000xi32, #tpu.memory_space<hbm>> -> memref<80xi32, #tpu.memory_space<hbm>>
    %dma_wait3A_479 = tpu.memref_slice %arg16[%dma_wait3A_473] : memref<4x!tpu.dma_semaphore, #tpu.memory_space<semaphore_mem>> -> memref<1x!tpu.dma_semaphore, #tpu.memory_space<semaphore_mem>>
    %dma_wait3A_480 = tpu.memref_squeeze %dma_wait3A_479 : memref<1x!tpu.dma_semaphore, #tpu.memory_space<semaphore_mem>> -> memref<!tpu.dma_semaphore, #tpu.memory_space<semaphore_mem>>
    %dma_wait3A_481 = arith.constant 0 : i32
    %dma_wait3A_482 = tpu.memref_slice %arg8[%dma_wait3A_472, %dma_wait3A_481] : memref<4x80xi32, #tpu.memory_space<vmem>> -> memref<1x80xi32, #tpu.memory_space<vmem>>
    %dma_wait3A_483 = tpu.memref_squeeze %dma_wait3A_482 : memref<1x80xi32, #tpu.memory_space<vmem>> -> memref<80xi32, #tpu.memory_space<vmem>>
    %dma_wait3A_484 = arith.constant 0 : i32
    %dma_wait3A_485 = tpu.memref_slice %arg3[%dma_wait3A_484] : memref<320000xi32, #tpu.memory_space<hbm>> -> memref<80xi32, #tpu.memory_space<hbm>>
    tpu.wait_dma2 semaphore(%dma_wait3A_480 : memref<!tpu.dma_semaphore, #tpu.memory_space<semaphore_mem>>) src(%dma_wait3A_485 : memref<80xi32, #tpu.memory_space<hbm>>) dst(%dma_wait3A_483 : memref<80xi32, #tpu.memory_space<vmem>>)
    %dma_wait3A_486 = arith.constant 2 : i32
    %dma_wait3A_487 = arith.constant 2 : i32
    %dma_wait3A_488 = arith.constant 0 : i32
    %dma_wait3A_489 = tpu.memref_slice %arg9[%dma_wait3A_486, %dma_wait3A_488] : memref<4x80xi32, #tpu.memory_space<vmem>> -> memref<1x80xi32, #tpu.memory_space<vmem>>
    %dma_wait3A_490 = tpu.memref_squeeze %dma_wait3A_489 : memref<1x80xi32, #tpu.memory_space<vmem>> -> memref<80xi32, #tpu.memory_space<vmem>>
    %dma_wait3A_491 = arith.constant 0 : i32
    %dma_wait3A_492 = tpu.memref_slice %arg4[%dma_wait3A_491] : memref<320000xi32, #tpu.memory_space<hbm>> -> memref<80xi32, #tpu.memory_space<hbm>>
    %dma_wait3A_493 = tpu.memref_slice %arg16[%dma_wait3A_487] : memref<4x!tpu.dma_semaphore, #tpu.memory_space<semaphore_mem>> -> memref<1x!tpu.dma_semaphore, #tpu.memory_space<semaphore_mem>>
    %dma_wait3A_494 = tpu.memref_squeeze %dma_wait3A_493 : memref<1x!tpu.dma_semaphore, #tpu.memory_space<semaphore_mem>> -> memref<!tpu.dma_semaphore, #tpu.memory_space<semaphore_mem>>
    %dma_wait3A_495 = arith.constant 0 : i32
    %dma_wait3A_496 = tpu.memref_slice %arg9[%dma_wait3A_486, %dma_wait3A_495] : memref<4x80xi32, #tpu.memory_space<vmem>> -> memref<1x80xi32, #tpu.memory_space<vmem>>
    %dma_wait3A_497 = tpu.memref_squeeze %dma_wait3A_496 : memref<1x80xi32, #tpu.memory_space<vmem>> -> memref<80xi32, #tpu.memory_space<vmem>>
    %dma_wait3A_498 = arith.constant 0 : i32
    %dma_wait3A_499 = tpu.memref_slice %arg4[%dma_wait3A_498] : memref<320000xi32, #tpu.memory_space<hbm>> -> memref<80xi32, #tpu.memory_space<hbm>>
    tpu.wait_dma2 semaphore(%dma_wait3A_494 : memref<!tpu.dma_semaphore, #tpu.memory_space<semaphore_mem>>) src(%dma_wait3A_499 : memref<80xi32, #tpu.memory_space<hbm>>) dst(%dma_wait3A_497 : memref<80xi32, #tpu.memory_space<vmem>>)
    %dma_start3A_500 = arith.constant 2 : i32
    %dma_start3A_501 = arith.constant 2 : i32
    %dma_start3A_502 = arith.constant 2 : i32
    %dma_start3A_503 = arith.constant 0 : i32
    %dma_start3A_504 = arith.constant 0 : i32
    %dma_start3A_505 = tpu.memref_slice %arg10[%dma_start3A_501, %dma_start3A_503, %dma_start3A_504] : memref<4x80x128xf32, #tpu.memory_space<vmem>> -> memref<1x80x128xf32, #tpu.memory_space<vmem>>
    %dma_start3A_506 = tpu.memref_squeeze %dma_start3A_505 : memref<1x80x128xf32, #tpu.memory_space<vmem>> -> memref<80x128xf32, #tpu.memory_space<vmem>>
    %dma_start3A_507 = arith.constant 0 : i32
    %dma_start3A_508 = tpu.memref_slice %arg8[%dma_start3A_500, %dma_start3A_507] : memref<4x80xi32, #tpu.memory_space<vmem>> -> memref<1x80xi32, #tpu.memory_space<vmem>>
    %dma_start3A_509 = tpu.memref_squeeze %dma_start3A_508 : memref<1x80xi32, #tpu.memory_space<vmem>> -> memref<80xi32, #tpu.memory_space<vmem>>
    %dma_start3A_510 = arith.constant 0 : i32
    %dma_start3A_511 = arith.constant 0 : i32
    %dma_start3A_512 = tpu.memref_slice %arg2[%dma_start3A_510, %dma_start3A_511] : memref<10000x128xf32, #tpu.memory_space<hbm>> -> memref<10000x128xf32, #tpu.memory_space<hbm>>
    %dma_start3A_513 = tpu.memref_slice %arg15[%dma_start3A_502] : memref<4x!tpu.dma_semaphore, #tpu.memory_space<semaphore_mem>> -> memref<1x!tpu.dma_semaphore, #tpu.memory_space<semaphore_mem>>
    %dma_start3A_514 = tpu.memref_squeeze %dma_start3A_513 : memref<1x!tpu.dma_semaphore, #tpu.memory_space<semaphore_mem>> -> memref<!tpu.dma_semaphore, #tpu.memory_space<semaphore_mem>>
    tpu.enqueue_indirect_dma source(%dma_start3A_512 : memref<10000x128xf32, #tpu.memory_space<hbm>>) target(%dma_start3A_506 : memref<80x128xf32, #tpu.memory_space<vmem>>) offsets(%dma_start3A_509 : memref<80xi32, #tpu.memory_space<vmem>>) semaphore(%dma_start3A_514 : memref<!tpu.dma_semaphore, #tpu.memory_space<semaphore_mem>>)
    %scan3A = arith.constant 0 : i32
    %scan3A_515 = arith.constant 0 : i32
    %scan3A_516 = arith.constant 125 : i32
    %scan3A_517 = arith.addi %scan3A_515, %scan3A_516 : i32
    %scan3A_518 = arith.constant 1 : i32
    scf.for %scan3A_529 = %scan3A_515 to %scan3A_517 step %scan3A_518  : i32 {
      %rem3A = arith.constant 4 : i32
      %rem3A_530 = arith.remsi %scan3A_529, %rem3A : i32
      %dma_wait3A_531 = arith.constant 0 : i32
      %dma_wait3A_532 = arith.constant 0 : i32
      %dma_wait3A_533 = arith.constant 0 : i32
      %dma_wait3A_534 = tpu.memref_slice %arg10[%rem3A_530, %dma_wait3A_532, %dma_wait3A_533] : memref<4x80x128xf32, #tpu.memory_space<vmem>> -> memref<1x80x128xf32, #tpu.memory_space<vmem>>
      %dma_wait3A_535 = tpu.memref_squeeze %dma_wait3A_534 : memref<1x80x128xf32, #tpu.memory_space<vmem>> -> memref<80x128xf32, #tpu.memory_space<vmem>>
      %dma_wait3A_536 = arith.constant 0 : i32
      %dma_wait3A_537 = tpu.memref_slice %arg8[%dma_wait3A_531, %dma_wait3A_536] : memref<4x80xi32, #tpu.memory_space<vmem>> -> memref<1x80xi32, #tpu.memory_space<vmem>>
      %dma_wait3A_538 = tpu.memref_squeeze %dma_wait3A_537 : memref<1x80xi32, #tpu.memory_space<vmem>> -> memref<80xi32, #tpu.memory_space<vmem>>
      %dma_wait3A_539 = arith.constant 0 : i32
      %dma_wait3A_540 = arith.constant 0 : i32
      %dma_wait3A_541 = tpu.memref_slice %arg2[%dma_wait3A_539, %dma_wait3A_540] : memref<10000x128xf32, #tpu.memory_space<hbm>> -> memref<10000x128xf32, #tpu.memory_space<hbm>>
      %dma_wait3A_542 = tpu.memref_slice %arg15[%rem3A_530] : memref<4x!tpu.dma_semaphore, #tpu.memory_space<semaphore_mem>> -> memref<1x!tpu.dma_semaphore, #tpu.memory_space<semaphore_mem>>
      %dma_wait3A_543 = tpu.memref_squeeze %dma_wait3A_542 : memref<1x!tpu.dma_semaphore, #tpu.memory_space<semaphore_mem>> -> memref<!tpu.dma_semaphore, #tpu.memory_space<semaphore_mem>>
      tpu.wait_indirect_dma semaphore(%dma_wait3A_543 : memref<!tpu.dma_semaphore, #tpu.memory_space<semaphore_mem>>) src(%dma_wait3A_541 : memref<10000x128xf32, #tpu.memory_space<hbm>>) dst(%dma_wait3A_535 : memref<80x128xf32, #tpu.memory_space<vmem>>)
      "tpu.region"() ({
        %run_scoped3A = tpu.sem_alloc : memref<!tpu.dma_semaphore, #tpu.memory_space<semaphore_mem>>
        %dma_start3A_558 = arith.constant 0 : i32
        %dma_start3A_559 = arith.constant 0 : i32
        %dma_start3A_560 = tpu.memref_slice %arg10[%rem3A_530, %dma_start3A_558, %dma_start3A_559] : memref<4x80x128xf32, #tpu.memory_space<vmem>> -> memref<1x80x128xf32, #tpu.memory_space<vmem>>
        %dma_start3A_561 = tpu.memref_squeeze %dma_start3A_560 : memref<1x80x128xf32, #tpu.memory_space<vmem>> -> memref<80x128xf32, #tpu.memory_space<vmem>>
        %dma_start3A_562 = arith.constant 0 : i32
        %dma_start3A_563 = tpu.memref_slice %arg9[%rem3A_530, %dma_start3A_562] : memref<4x80xi32, #tpu.memory_space<vmem>> -> memref<1x80xi32, #tpu.memory_space<vmem>>
        %dma_start3A_564 = tpu.memref_squeeze %dma_start3A_563 : memref<1x80xi32, #tpu.memory_space<vmem>> -> memref<80xi32, #tpu.memory_space<vmem>>
        %dma_start3A_565 = arith.constant 0 : i32
        %dma_start3A_566 = arith.constant 0 : i32
        %dma_start3A_567 = tpu.memref_slice %arg13[%dma_start3A_565, %dma_start3A_566] : memref<10240x128xf32, #tpu.memory_space<vmem_shared>> -> memref<10240x128xf32, #tpu.memory_space<vmem_shared>>
        tpu.enqueue_indirect_dma source(%dma_start3A_561 : memref<80x128xf32, #tpu.memory_space<vmem>>) target(%dma_start3A_567 : memref<10240x128xf32, #tpu.memory_space<vmem_shared>>) offsets(%dma_start3A_564 : memref<80xi32, #tpu.memory_space<vmem>>) semaphore(%run_scoped3A : memref<!tpu.dma_semaphore, #tpu.memory_space<semaphore_mem>>) {add = true}
        %dma_wait3A_568 = arith.constant 0 : i32
        %dma_wait3A_569 = arith.constant 0 : i32
        %dma_wait3A_570 = tpu.memref_slice %arg10[%rem3A_530, %dma_wait3A_568, %dma_wait3A_569] : memref<4x80x128xf32, #tpu.memory_space<vmem>> -> memref<1x80x128xf32, #tpu.memory_space<vmem>>
        %dma_wait3A_571 = tpu.memref_squeeze %dma_wait3A_570 : memref<1x80x128xf32, #tpu.memory_space<vmem>> -> memref<80x128xf32, #tpu.memory_space<vmem>>
        %dma_wait3A_572 = arith.constant 0 : i32
        %dma_wait3A_573 = tpu.memref_slice %arg9[%rem3A_530, %dma_wait3A_572] : memref<4x80xi32, #tpu.memory_space<vmem>> -> memref<1x80xi32, #tpu.memory_space<vmem>>
        %dma_wait3A_574 = tpu.memref_squeeze %dma_wait3A_573 : memref<1x80xi32, #tpu.memory_space<vmem>> -> memref<80xi32, #tpu.memory_space<vmem>>
        %dma_wait3A_575 = arith.constant 0 : i32
        %dma_wait3A_576 = arith.constant 0 : i32
        %dma_wait3A_577 = tpu.memref_slice %arg13[%dma_wait3A_575, %dma_wait3A_576] : memref<10240x128xf32, #tpu.memory_space<vmem_shared>> -> memref<10240x128xf32, #tpu.memory_space<vmem_shared>>
        tpu.wait_indirect_dma semaphore(%run_scoped3A : memref<!tpu.dma_semaphore, #tpu.memory_space<semaphore_mem>>) src(%dma_wait3A_571 : memref<80x128xf32, #tpu.memory_space<vmem>>) dst(%dma_wait3A_577 : memref<10240x128xf32, #tpu.memory_space<vmem_shared>>)
        tpu.yield
      }) : () -> ()
      "tpu.region"() ({
        %run_scoped3A = tpu.sem_alloc : memref<!tpu.dma_semaphore, #tpu.memory_space<semaphore_mem>>
        %dma_start3A_558 = arith.constant 0 : i32
        %dma_start3A_559 = tpu.memref_slice %arg9[%rem3A_530, %dma_start3A_558] : memref<4x80xi32, #tpu.memory_space<vmem>> -> memref<1x80xi32, #tpu.memory_space<vmem>>
        %dma_start3A_560 = tpu.memref_squeeze %dma_start3A_559 : memref<1x80xi32, #tpu.memory_space<vmem>> -> memref<80xi32, #tpu.memory_space<vmem>>
        %dma_start3A_561 = arith.constant 0 : i32
        %dma_start3A_562 = tpu.memref_slice %arg14[%dma_start3A_561] : memref<10240xf32, #tpu.memory_space<vmem_shared>> -> memref<10240xf32, #tpu.memory_space<vmem_shared>>
        tpu.enqueue_indirect_dma source(%arg11 : memref<80xf32, #tpu.memory_space<vmem>>) target(%dma_start3A_562 : memref<10240xf32, #tpu.memory_space<vmem_shared>>) offsets(%dma_start3A_560 : memref<80xi32, #tpu.memory_space<vmem>>) semaphore(%run_scoped3A : memref<!tpu.dma_semaphore, #tpu.memory_space<semaphore_mem>>) {add = true}
        %dma_wait3A_563 = arith.constant 0 : i32
        %dma_wait3A_564 = tpu.memref_slice %arg9[%rem3A_530, %dma_wait3A_563] : memref<4x80xi32, #tpu.memory_space<vmem>> -> memref<1x80xi32, #tpu.memory_space<vmem>>
        %dma_wait3A_565 = tpu.memref_squeeze %dma_wait3A_564 : memref<1x80xi32, #tpu.memory_space<vmem>> -> memref<80xi32, #tpu.memory_space<vmem>>
        %dma_wait3A_566 = arith.constant 0 : i32
        %dma_wait3A_567 = tpu.memref_slice %arg14[%dma_wait3A_566] : memref<10240xf32, #tpu.memory_space<vmem_shared>> -> memref<10240xf32, #tpu.memory_space<vmem_shared>>
        tpu.wait_indirect_dma semaphore(%run_scoped3A : memref<!tpu.dma_semaphore, #tpu.memory_space<semaphore_mem>>) src(%arg11 : memref<80xf32, #tpu.memory_space<vmem>>) dst(%dma_wait3A_567 : memref<10240xf32, #tpu.memory_space<vmem_shared>>)
        tpu.yield
      }) : () -> ()
      %add3A_544 = arith.constant 4 : i32
      %add3A_545 = arith.addi %scan3A_529, %add3A_544 : i32
      %lt3A = arith.constant 125 : i32
      %lt3A_546 = arith.cmpi slt, %add3A_545, %lt3A : i32
      %convert_element_type3A = arith.extui %lt3A_546 : i1 to i32
      %cond3A = arith.constant 0 : i32
      %cond3A_547 = arith.cmpi ne, %convert_element_type3A, %cond3A : i32
      scf.if %cond3A_547 {
        %mul3A_558 = arith.constant 10000 : i32
        %mul3A_559 = arith.muli %add3A, %mul3A_558 : i32
        %mul3A_560 = arith.constant 80 : i32
        %mul3A_561 = arith.muli %add3A_545, %mul3A_560 : i32
        %add3A_562 = arith.addi %mul3A_559, %mul3A_561 : i32
        %multiple_of3A_563 = tpu.assume_multiple %add3A_562, 8 : i32
        %dma_start3A_564 = arith.constant 0 : i32
        %dma_start3A_565 = tpu.memref_slice %arg8[%rem3A_530, %dma_start3A_564] : memref<4x80xi32, #tpu.memory_space<vmem>> -> memref<1x80xi32, #tpu.memory_space<vmem>>
        %dma_start3A_566 = tpu.memref_squeeze %dma_start3A_565 : memref<1x80xi32, #tpu.memory_space<vmem>> -> memref<80xi32, #tpu.memory_space<vmem>>
        %dma_start3A_567 = tpu.memref_slice %arg3[%multiple_of3A_563] : memref<320000xi32, #tpu.memory_space<hbm>> -> memref<80xi32, #tpu.memory_space<hbm>>
        %dma_start3A_568 = tpu.memref_slice %arg16[%rem3A_530] : memref<4x!tpu.dma_semaphore, #tpu.memory_space<semaphore_mem>> -> memref<1x!tpu.dma_semaphore, #tpu.memory_space<semaphore_mem>>
        %dma_start3A_569 = tpu.memref_squeeze %dma_start3A_568 : memref<1x!tpu.dma_semaphore, #tpu.memory_space<semaphore_mem>> -> memref<!tpu.dma_semaphore, #tpu.memory_space<semaphore_mem>>
        %dma_start3A_570 = arith.constant 0 : i32
        %dma_start3A_571 = tpu.memref_slice %arg8[%rem3A_530, %dma_start3A_570] : memref<4x80xi32, #tpu.memory_space<vmem>> -> memref<1x80xi32, #tpu.memory_space<vmem>>
        %dma_start3A_572 = tpu.memref_squeeze %dma_start3A_571 : memref<1x80xi32, #tpu.memory_space<vmem>> -> memref<80xi32, #tpu.memory_space<vmem>>
        %dma_start3A_573 = tpu.memref_slice %arg3[%multiple_of3A_563] : memref<320000xi32, #tpu.memory_space<hbm>> -> memref<80xi32, #tpu.memory_space<hbm>>
        tpu.enqueue_dma source(%dma_start3A_573 : memref<80xi32, #tpu.memory_space<hbm>>) target(%dma_start3A_572 : memref<80xi32, #tpu.memory_space<vmem>>) target_semaphore(%dma_start3A_569 : memref<!tpu.dma_semaphore, #tpu.memory_space<semaphore_mem>>)
        %dma_start3A_574 = arith.constant 0 : i32
        %dma_start3A_575 = tpu.memref_slice %arg9[%rem3A_530, %dma_start3A_574] : memref<4x80xi32, #tpu.memory_space<vmem>> -> memref<1x80xi32, #tpu.memory_space<vmem>>
        %dma_start3A_576 = tpu.memref_squeeze %dma_start3A_575 : memref<1x80xi32, #tpu.memory_space<vmem>> -> memref<80xi32, #tpu.memory_space<vmem>>
        %dma_start3A_577 = tpu.memref_slice %arg4[%multiple_of3A_563] : memref<320000xi32, #tpu.memory_space<hbm>> -> memref<80xi32, #tpu.memory_space<hbm>>
        %dma_start3A_578 = tpu.memref_slice %arg16[%rem3A_530] : memref<4x!tpu.dma_semaphore, #tpu.memory_space<semaphore_mem>> -> memref<1x!tpu.dma_semaphore, #tpu.memory_space<semaphore_mem>>
        %dma_start3A_579 = tpu.memref_squeeze %dma_start3A_578 : memref<1x!tpu.dma_semaphore, #tpu.memory_space<semaphore_mem>> -> memref<!tpu.dma_semaphore, #tpu.memory_space<semaphore_mem>>
        %dma_start3A_580 = arith.constant 0 : i32
        %dma_start3A_581 = tpu.memref_slice %arg9[%rem3A_530, %dma_start3A_580] : memref<4x80xi32, #tpu.memory_space<vmem>> -> memref<1x80xi32, #tpu.memory_space<vmem>>
        %dma_start3A_582 = tpu.memref_squeeze %dma_start3A_581 : memref<1x80xi32, #tpu.memory_space<vmem>> -> memref<80xi32, #tpu.memory_space<vmem>>
        %dma_start3A_583 = tpu.memref_slice %arg4[%multiple_of3A_563] : memref<320000xi32, #tpu.memory_space<hbm>> -> memref<80xi32, #tpu.memory_space<hbm>>
        tpu.enqueue_dma source(%dma_start3A_583 : memref<80xi32, #tpu.memory_space<hbm>>) target(%dma_start3A_582 : memref<80xi32, #tpu.memory_space<vmem>>) target_semaphore(%dma_start3A_579 : memref<!tpu.dma_semaphore, #tpu.memory_space<semaphore_mem>>)
      } else {
      }
      %add3A_548 = arith.constant 4 : i32
      %add3A_549 = arith.addi %scan3A_529, %add3A_548 : i32
      %sub3A = arith.constant 1 : i32
      %sub3A_550 = arith.subi %add3A_549, %sub3A : i32
      %rem3A_551 = arith.constant 4 : i32
      %rem3A_552 = arith.remsi %sub3A_550, %rem3A_551 : i32
      %lt3A_553 = arith.constant 125 : i32
      %lt3A_554 = arith.cmpi slt, %sub3A_550, %lt3A_553 : i32
      %convert_element_type3A_555 = arith.extui %lt3A_554 : i1 to i32
      %cond3A_556 = arith.constant 0 : i32
      %cond3A_557 = arith.cmpi ne, %convert_element_type3A_555, %cond3A_556 : i32
      scf.if %cond3A_557 {
        %dma_wait3A_558 = arith.constant 0 : i32
        %dma_wait3A_559 = tpu.memref_slice %arg8[%rem3A_552, %dma_wait3A_558] : memref<4x80xi32, #tpu.memory_space<vmem>> -> memref<1x80xi32, #tpu.memory_space<vmem>>
        %dma_wait3A_560 = tpu.memref_squeeze %dma_wait3A_559 : memref<1x80xi32, #tpu.memory_space<vmem>> -> memref<80xi32, #tpu.memory_space<vmem>>
        %dma_wait3A_561 = arith.constant 0 : i32
        %dma_wait3A_562 = tpu.memref_slice %arg3[%dma_wait3A_561] : memref<320000xi32, #tpu.memory_space<hbm>> -> memref<80xi32, #tpu.memory_space<hbm>>
        %dma_wait3A_563 = tpu.memref_slice %arg16[%rem3A_552] : memref<4x!tpu.dma_semaphore, #tpu.memory_space<semaphore_mem>> -> memref<1x!tpu.dma_semaphore, #tpu.memory_space<semaphore_mem>>
        %dma_wait3A_564 = tpu.memref_squeeze %dma_wait3A_563 : memref<1x!tpu.dma_semaphore, #tpu.memory_space<semaphore_mem>> -> memref<!tpu.dma_semaphore, #tpu.memory_space<semaphore_mem>>
        %dma_wait3A_565 = arith.constant 0 : i32
        %dma_wait3A_566 = tpu.memref_slice %arg8[%rem3A_552, %dma_wait3A_565] : memref<4x80xi32, #tpu.memory_space<vmem>> -> memref<1x80xi32, #tpu.memory_space<vmem>>
        %dma_wait3A_567 = tpu.memref_squeeze %dma_wait3A_566 : memref<1x80xi32, #tpu.memory_space<vmem>> -> memref<80xi32, #tpu.memory_space<vmem>>
        %dma_wait3A_568 = arith.constant 0 : i32
        %dma_wait3A_569 = tpu.memref_slice %arg3[%dma_wait3A_568] : memref<320000xi32, #tpu.memory_space<hbm>> -> memref<80xi32, #tpu.memory_space<hbm>>
        tpu.wait_dma2 semaphore(%dma_wait3A_564 : memref<!tpu.dma_semaphore, #tpu.memory_space<semaphore_mem>>) src(%dma_wait3A_569 : memref<80xi32, #tpu.memory_space<hbm>>) dst(%dma_wait3A_567 : memref<80xi32, #tpu.memory_space<vmem>>)
        %dma_wait3A_570 = arith.constant 0 : i32
        %dma_wait3A_571 = tpu.memref_slice %arg9[%rem3A_552, %dma_wait3A_570] : memref<4x80xi32, #tpu.memory_space<vmem>> -> memref<1x80xi32, #tpu.memory_space<vmem>>
        %dma_wait3A_572 = tpu.memref_squeeze %dma_wait3A_571 : memref<1x80xi32, #tpu.memory_space<vmem>> -> memref<80xi32, #tpu.memory_space<vmem>>
        %dma_wait3A_573 = arith.constant 0 : i32
        %dma_wait3A_574 = tpu.memref_slice %arg4[%dma_wait3A_573] : memref<320000xi32, #tpu.memory_space<hbm>> -> memref<80xi32, #tpu.memory_space<hbm>>
        %dma_wait3A_575 = tpu.memref_slice %arg16[%rem3A_552] : memref<4x!tpu.dma_semaphore, #tpu.memory_space<semaphore_mem>> -> memref<1x!tpu.dma_semaphore, #tpu.memory_space<semaphore_mem>>
        %dma_wait3A_576 = tpu.memref_squeeze %dma_wait3A_575 : memref<1x!tpu.dma_semaphore, #tpu.memory_space<semaphore_mem>> -> memref<!tpu.dma_semaphore, #tpu.memory_space<semaphore_mem>>
        %dma_wait3A_577 = arith.constant 0 : i32
        %dma_wait3A_578 = tpu.memref_slice %arg9[%rem3A_552, %dma_wait3A_577] : memref<4x80xi32, #tpu.memory_space<vmem>> -> memref<1x80xi32, #tpu.memory_space<vmem>>
        %dma_wait3A_579 = tpu.memref_squeeze %dma_wait3A_578 : memref<1x80xi32, #tpu.memory_space<vmem>> -> memref<80xi32, #tpu.memory_space<vmem>>
        %dma_wait3A_580 = arith.constant 0 : i32
        %dma_wait3A_581 = tpu.memref_slice %arg4[%dma_wait3A_580] : memref<320000xi32, #tpu.memory_space<hbm>> -> memref<80xi32, #tpu.memory_space<hbm>>
        tpu.wait_dma2 semaphore(%dma_wait3A_576 : memref<!tpu.dma_semaphore, #tpu.memory_space<semaphore_mem>>) src(%dma_wait3A_581 : memref<80xi32, #tpu.memory_space<hbm>>) dst(%dma_wait3A_579 : memref<80xi32, #tpu.memory_space<vmem>>)
        %dma_start3A_582 = arith.constant 0 : i32
        %dma_start3A_583 = arith.constant 0 : i32
        %dma_start3A_584 = tpu.memref_slice %arg10[%rem3A_552, %dma_start3A_582, %dma_start3A_583] : memref<4x80x128xf32, #tpu.memory_space<vmem>> -> memref<1x80x128xf32, #tpu.memory_space<vmem>>
        %dma_start3A_585 = tpu.memref_squeeze %dma_start3A_584 : memref<1x80x128xf32, #tpu.memory_space<vmem>> -> memref<80x128xf32, #tpu.memory_space<vmem>>
        %dma_start3A_586 = arith.constant 0 : i32
        %dma_start3A_587 = tpu.memref_slice %arg8[%rem3A_552, %dma_start3A_586] : memref<4x80xi32, #tpu.memory_space<vmem>> -> memref<1x80xi32, #tpu.memory_space<vmem>>
        %dma_start3A_588 = tpu.memref_squeeze %dma_start3A_587 : memref<1x80xi32, #tpu.memory_space<vmem>> -> memref<80xi32, #tpu.memory_space<vmem>>
        %dma_start3A_589 = arith.constant 0 : i32
        %dma_start3A_590 = arith.constant 0 : i32
        %dma_start3A_591 = tpu.memref_slice %arg2[%dma_start3A_589, %dma_start3A_590] : memref<10000x128xf32, #tpu.memory_space<hbm>> -> memref<10000x128xf32, #tpu.memory_space<hbm>>
        %dma_start3A_592 = tpu.memref_slice %arg15[%rem3A_552] : memref<4x!tpu.dma_semaphore, #tpu.memory_space<semaphore_mem>> -> memref<1x!tpu.dma_semaphore, #tpu.memory_space<semaphore_mem>>
        %dma_start3A_593 = tpu.memref_squeeze %dma_start3A_592 : memref<1x!tpu.dma_semaphore, #tpu.memory_space<semaphore_mem>> -> memref<!tpu.dma_semaphore, #tpu.memory_space<semaphore_mem>>
        tpu.enqueue_indirect_dma source(%dma_start3A_591 : memref<10000x128xf32, #tpu.memory_space<hbm>>) target(%dma_start3A_585 : memref<80x128xf32, #tpu.memory_space<vmem>>) offsets(%dma_start3A_588 : memref<80xi32, #tpu.memory_space<vmem>>) semaphore(%dma_start3A_593 : memref<!tpu.dma_semaphore, #tpu.memory_space<semaphore_mem>>)
      } else {
      }
    }
    %scan3A_519 = arith.constant 125 : i32
    %barrier3A_520 = arith.constant 0 : index
    tpu.barrier barrier_id(%barrier3A_520)
    "tpu.region"() ({
      %run_scoped3A = tpu.sem_alloc : memref<!tpu.dma_semaphore, #tpu.memory_space<semaphore_mem>>
      %dma_start3A_529 = arith.constant 0 : i32
      %dma_start3A_530 = tpu.memref_slice %arg6[%arg0, %mul3A_2, %dma_start3A_529] : memref<2x10240x128xf32, #tpu.memory_space<hbm>> -> memref<1x640x128xf32, #tpu.memory_space<hbm>>
      %dma_start3A_531 = tpu.memref_squeeze %dma_start3A_530 : memref<1x640x128xf32, #tpu.memory_space<hbm>> -> memref<640x128xf32, #tpu.memory_space<hbm>>
      %dma_start3A_532 = arith.constant 0 : i32
      %dma_start3A_533 = tpu.memref_slice %arg13[%mul3A_2, %dma_start3A_532] : memref<10240x128xf32, #tpu.memory_space<vmem_shared>> -> memref<640x128xf32, #tpu.memory_space<vmem_shared>>
      tpu.enqueue_dma source(%dma_start3A_533 : memref<640x128xf32, #tpu.memory_space<vmem_shared>>) target(%dma_start3A_531 : memref<640x128xf32, #tpu.memory_space<hbm>>) target_semaphore(%run_scoped3A : memref<!tpu.dma_semaphore, #tpu.memory_space<semaphore_mem>>)
      %dma_wait3A_534 = arith.constant 0 : i32
      %dma_wait3A_535 = tpu.memref_slice %arg6[%arg0, %mul3A_2, %dma_wait3A_534] : memref<2x10240x128xf32, #tpu.memory_space<hbm>> -> memref<1x640x128xf32, #tpu.memory_space<hbm>>
      %dma_wait3A_536 = tpu.memref_squeeze %dma_wait3A_535 : memref<1x640x128xf32, #tpu.memory_space<hbm>> -> memref<640x128xf32, #tpu.memory_space<hbm>>
      %dma_wait3A_537 = arith.constant 0 : i32
      %dma_wait3A_538 = tpu.memref_slice %arg13[%mul3A_2, %dma_wait3A_537] : memref<10240x128xf32, #tpu.memory_space<vmem_shared>> -> memref<640x128xf32, #tpu.memory_space<vmem_shared>>
      tpu.wait_dma2 semaphore(%run_scoped3A : memref<!tpu.dma_semaphore, #tpu.memory_space<semaphore_mem>>) src(%dma_wait3A_538 : memref<640x128xf32, #tpu.memory_space<vmem_shared>>) dst(%dma_wait3A_536 : memref<640x128xf32, #tpu.memory_space<hbm>>)
      tpu.yield
    }) : () -> ()
    %mul3A_521 = arith.constant 640 : i32
    %mul3A_522 = arith.muli %arg1, %mul3A_521 : i32
    "tpu.region"() ({
      %run_scoped3A = tpu.sem_alloc : memref<!tpu.dma_semaphore, #tpu.memory_space<semaphore_mem>>
      %dma_start3A_529 = arith.constant 0 : i32
      %dma_start3A_530 = tpu.memref_slice %arg12[%dma_start3A_529] : memref<640xf32, #tpu.memory_space<vmem>> -> memref<640xf32, #tpu.memory_space<vmem>>
      %dma_start3A_531 = tpu.memref_slice %arg14[%mul3A_522] : memref<10240xf32, #tpu.memory_space<vmem_shared>> -> memref<640xf32, #tpu.memory_space<vmem_shared>>
      %dma_start3A_532 = arith.constant 0 : i32
      %dma_start3A_533 = tpu.memref_slice %arg12[%dma_start3A_532] : memref<640xf32, #tpu.memory_space<vmem>> -> memref<640xf32, #tpu.memory_space<vmem>>
      %dma_start3A_534 = tpu.memref_slice %arg14[%mul3A_522] : memref<10240xf32, #tpu.memory_space<vmem_shared>> -> memref<640xf32, #tpu.memory_space<vmem_shared>>
      tpu.enqueue_dma source(%dma_start3A_534 : memref<640xf32, #tpu.memory_space<vmem_shared>>) target(%dma_start3A_533 : memref<640xf32, #tpu.memory_space<vmem>>) target_semaphore(%run_scoped3A : memref<!tpu.dma_semaphore, #tpu.memory_space<semaphore_mem>>)
      %dma_wait3A_535 = arith.constant 0 : i32
      %dma_wait3A_536 = tpu.memref_slice %arg12[%dma_wait3A_535] : memref<640xf32, #tpu.memory_space<vmem>> -> memref<640xf32, #tpu.memory_space<vmem>>
      %dma_wait3A_537 = tpu.memref_slice %arg14[%mul3A_522] : memref<10240xf32, #tpu.memory_space<vmem_shared>> -> memref<640xf32, #tpu.memory_space<vmem_shared>>
      %dma_wait3A_538 = arith.constant 0 : i32
      %dma_wait3A_539 = tpu.memref_slice %arg12[%dma_wait3A_538] : memref<640xf32, #tpu.memory_space<vmem>> -> memref<640xf32, #tpu.memory_space<vmem>>
      %dma_wait3A_540 = tpu.memref_slice %arg14[%mul3A_522] : memref<10240xf32, #tpu.memory_space<vmem_shared>> -> memref<640xf32, #tpu.memory_space<vmem_shared>>
      tpu.wait_dma2 semaphore(%run_scoped3A : memref<!tpu.dma_semaphore, #tpu.memory_space<semaphore_mem>>) src(%dma_wait3A_540 : memref<640xf32, #tpu.memory_space<vmem_shared>>) dst(%dma_wait3A_539 : memref<640xf32, #tpu.memory_space<vmem>>)
      tpu.yield
    }) : () -> ()
    %mul3A_523 = arith.constant 10240 : i32
    %mul3A_524 = arith.muli %arg0, %mul3A_523 : i32
    %mul3A_525 = arith.constant 640 : i32
    %mul3A_526 = arith.muli %arg1, %mul3A_525 : i32
    %add3A_527 = arith.addi %mul3A_524, %mul3A_526 : i32
    %multiple_of3A_528 = tpu.assume_multiple %add3A_527, 8 : i32
    "tpu.region"() ({
      %run_scoped3A = tpu.sem_alloc : memref<!tpu.dma_semaphore, #tpu.memory_space<semaphore_mem>>
      %dma_start3A_529 = arith.constant 0 : i32
      %dma_start3A_530 = tpu.memref_slice %arg12[%dma_start3A_529] : memref<640xf32, #tpu.memory_space<vmem>> -> memref<640xf32, #tpu.memory_space<vmem>>
      %dma_start3A_531 = tpu.memref_slice %arg7[%multiple_of3A_528] : memref<20480xf32, #tpu.memory_space<hbm>> -> memref<640xf32, #tpu.memory_space<hbm>>
      %dma_start3A_532 = tpu.memref_slice %arg7[%multiple_of3A_528] : memref<20480xf32, #tpu.memory_space<hbm>> -> memref<640xf32, #tpu.memory_space<hbm>>
      %dma_start3A_533 = arith.constant 0 : i32
      %dma_start3A_534 = tpu.memref_slice %arg12[%dma_start3A_533] : memref<640xf32, #tpu.memory_space<vmem>> -> memref<640xf32, #tpu.memory_space<vmem>>
      tpu.enqueue_dma source(%dma_start3A_534 : memref<640xf32, #tpu.memory_space<vmem>>) target(%dma_start3A_532 : memref<640xf32, #tpu.memory_space<hbm>>) target_semaphore(%run_scoped3A : memref<!tpu.dma_semaphore, #tpu.memory_space<semaphore_mem>>)
      %dma_wait3A_535 = arith.constant 0 : i32
      %dma_wait3A_536 = tpu.memref_slice %arg12[%dma_wait3A_535] : memref<640xf32, #tpu.memory_space<vmem>> -> memref<640xf32, #tpu.memory_space<vmem>>
      %dma_wait3A_537 = tpu.memref_slice %arg7[%multiple_of3A_528] : memref<20480xf32, #tpu.memory_space<hbm>> -> memref<640xf32, #tpu.memory_space<hbm>>
      %dma_wait3A_538 = tpu.memref_slice %arg7[%multiple_of3A_528] : memref<20480xf32, #tpu.memory_space<hbm>> -> memref<640xf32, #tpu.memory_space<hbm>>
      %dma_wait3A_539 = arith.constant 0 : i32
      %dma_wait3A_540 = tpu.memref_slice %arg12[%dma_wait3A_539] : memref<640xf32, #tpu.memory_space<vmem>> -> memref<640xf32, #tpu.memory_space<vmem>>
      tpu.wait_dma2 semaphore(%run_scoped3A : memref<!tpu.dma_semaphore, #tpu.memory_space<semaphore_mem>>) src(%dma_wait3A_540 : memref<640xf32, #tpu.memory_space<vmem>>) dst(%dma_wait3A_538 : memref<640xf32, #tpu.memory_space<hbm>>)
      tpu.yield
    }) : () -> ()
    return
  }
}

module attributes {stable_mosaic.version = 14 : i64} {
  func.func @body(%arg0: i32, %arg1: memref<2048x128xf32, #tpu.memory_space<vmem>>, %arg2: memref<2x2048x128xf32, #tpu.memory_space<vmem>>, %arg3: memref<2048xf32, #tpu.memory_space<vmem>>, %arg4: memref<2048xf32, #tpu.memory_space<vmem>>, %arg5: memref<128x128xf32, #tpu.memory_space<vmem>>, %arg6: memref<1x128xf32, #tpu.memory_space<vmem>>, %arg7: memref<2048x128xf32, #tpu.memory_space<vmem>>) attributes {dimension_semantics = [#tpu.dimension_semantics<arbitrary>], iteration_bounds = array<i64: 5>, scalar_prefetch = 0 : i64, scratch_operands = 0 : i64, tpu.core_type = #tpu.core_type<tc>, window_params = [{transform_indices = @transform_0, window_bounds = array<i64: 2048, 128>}, {transform_indices = @transform_1, window_bounds = array<i64: 2, 2048, 128>}, {transform_indices = @transform_2, window_bounds = array<i64: 2048>}, {transform_indices = @transform_3, window_bounds = array<i64: 2048>}, {pipeline_mode = #tpu.pipeline_mode<synchronous>, transform_indices = @transform_4, window_bounds = array<i64: 128, 128>}, {pipeline_mode = #tpu.pipeline_mode<synchronous>, transform_indices = @transform_5, window_bounds = array<i64: 1, 128>}, {transform_indices = @transform_6, window_bounds = array<i64: 2048, 128>}]} {
    %get3A = arith.constant 0 : index
    %get3A_0 = arith.constant 0 : index
    %get3A_1 = vector.load %arg1[%get3A, %get3A_0] : memref<2048x128xf32, #tpu.memory_space<vmem>>, vector<2048x128xf32>
    %get3A_2 = arith.constant 0 : index
    %get3A_3 = arith.constant 0 : index
    %get3A_4 = arith.constant 0 : index
    %get3A_5 = vector.load %arg2[%get3A_2, %get3A_3, %get3A_4] : memref<2x2048x128xf32, #tpu.memory_space<vmem>>, vector<1x2048x128xf32>
    %get3A_6 = vector.shape_cast %get3A_5 : vector<1x2048x128xf32> to vector<2048x128xf32>
    %add3A = arith.addf %get3A_1, %get3A_6 : vector<2048x128xf32>
    %get3A_7 = arith.constant 1 : index
    %get3A_8 = arith.constant 0 : index
    %get3A_9 = arith.constant 0 : index
    %get3A_10 = vector.load %arg2[%get3A_7, %get3A_8, %get3A_9] : memref<2x2048x128xf32, #tpu.memory_space<vmem>>, vector<1x2048x128xf32>
    %get3A_11 = vector.shape_cast %get3A_10 : vector<1x2048x128xf32> to vector<2048x128xf32>
    %add3A_12 = arith.addf %add3A, %get3A_11 : vector<2048x128xf32>
    %get3A_13 = arith.constant 0 : index
    %get3A_14 = vector.load %arg3[%get3A_13] : memref<2048xf32, #tpu.memory_space<vmem>>, vector<2048xf32>
    %get3A_15 = arith.constant 0 : index
    %get3A_16 = vector.load %arg4[%get3A_15] : memref<2048xf32, #tpu.memory_space<vmem>>, vector<2048xf32>
    %add3A_17 = arith.addf %get3A_14, %get3A_16 : vector<2048xf32>
    %add3A_18 = arith.constant 1.000000e+00 : f32
    %add3A_19 = vector.broadcast %add3A_18 : f32 to vector<2048xf32>
    %add3A_20 = arith.addf %add3A_17, %add3A_19 : vector<2048xf32>
    %div3A = arith.constant 1.000000e+00 : f32
    %div3A_21 = vector.broadcast %div3A : f32 to vector<2048xf32>
    %div3A_22 = arith.divf %div3A_21, %add3A_20 : vector<2048xf32>
    %broadcast_in_dim3A = vector.shape_cast %div3A_22 : vector<2048xf32> to vector<2048x1xf32>
    %mul3A = vector.broadcast %broadcast_in_dim3A : vector<2048x1xf32> to vector<2048x128xf32>
    %mul3A_23 = arith.mulf %add3A_12, %mul3A : vector<2048x128xf32>
    %get3A_24 = arith.constant 0 : index
    %get3A_25 = arith.constant 0 : index
    %get3A_26 = vector.load %arg5[%get3A_24, %get3A_25] : memref<128x128xf32, #tpu.memory_space<vmem>>, vector<128x128xf32>
    %dot_general3A = arith.constant dense<0.000000e+00> : vector<2048x128xf32>
    %dot_general3A_27 = tpu.matmul %mul3A_23, %get3A_26, %dot_general3A {dimension_numbers = #tpu.dot_dimension_numbers<[1], [1], [0], [0], [0, 0, 1, 0], [], []>, precision = #tpu.contract_precision<fp32>, transpose_lhs_hint = false} : vector<2048x128xf32>, vector<128x128xf32>, vector<2048x128xf32> -> vector<2048x128xf32>
    %get3A_28 = arith.constant 0 : index
    %get3A_29 = arith.constant 0 : index
    %get3A_30 = vector.load %arg6[%get3A_28, %get3A_29] : memref<1x128xf32, #tpu.memory_space<vmem>>, vector<1x128xf32>
    %add3A_31 = vector.broadcast %get3A_30 : vector<1x128xf32> to vector<2048x128xf32>
    %add3A_32 = arith.addf %dot_general3A_27, %add3A_31 : vector<2048x128xf32>
    %swap3A = arith.constant 0 : index
    %swap3A_33 = arith.constant 0 : index
    %swap3A_34 = vector.load %arg7[%swap3A, %swap3A_33] : memref<2048x128xf32, #tpu.memory_space<vmem>>, vector<2048x128xf32>
    tpu.vector_store %arg7[%swap3A, %swap3A_33], %add3A_32 {strides = array<i32>} : memref<2048x128xf32, #tpu.memory_space<vmem>>, vector<2048x128xf32>,
    return
  }
  func.func @transform_0(%arg0: i32) -> (i32, i32) {
    %c0_i32 = arith.constant 0 : i32
    %c0_i32_0 = arith.constant 0 : i32
    return %arg0, %c0_i32 : i32, i32
  }
  func.func @transform_1(%arg0: i32) -> (i32, i32, i32) {
    %c0_i32 = arith.constant 0 : i32
    %c0_i32_0 = arith.constant 0 : i32
    %c0_i32_1 = arith.constant 0 : i32
    return %c0_i32, %arg0, %c0_i32_0 : i32, i32, i32
  }
  func.func @transform_2(%arg0: i32) -> i32 {
    %c0_i32 = arith.constant 0 : i32
    return %arg0 : i32
  }
  func.func @transform_3(%arg0: i32) -> i32 {
    %add3A = arith.constant 5 : i32
    %add3A_0 = arith.addi %arg0, %add3A : i32
    %c0_i32 = arith.constant 0 : i32
    return %add3A_0 : i32
  }
  func.func @transform_4(%arg0: i32) -> (i32, i32) {
    %c0_i32 = arith.constant 0 : i32
    %c0_i32_0 = arith.constant 0 : i32
    %c0_i32_1 = arith.constant 0 : i32
    return %c0_i32, %c0_i32_0 : i32, i32
  }
  func.func @transform_5(%arg0: i32) -> (i32, i32) {
    %c0_i32 = arith.constant 0 : i32
    %c0_i32_0 = arith.constant 0 : i32
    %c0_i32_1 = arith.constant 0 : i32
    return %c0_i32, %c0_i32_0 : i32, i32
  }
  func.func @transform_6(%arg0: i32) -> (i32, i32) {
    %c0_i32 = arith.constant 0 : i32
    %c0_i32_0 = arith.constant 0 : i32
    return %arg0, %c0_i32 : i32, i32
  }
}

</mosaic_0001>

<sc_bundles>
// kernel: kernel.4.cloned.1.call-start
scs
__scs_entry_jumppad:
0x0: {  	(pc) =	sbr.rel $0x88, $3  }
0x1: {  	(tag) =	ssettag $0x0;
	lr =	simm.s32 $0x1  }
0x2: {  	[smem:$0x3F9D] =	sst lr;
	_ =	strace $0xD0000000  }
0x3: {  	_ = 	snop  }
0x4: {  	_ = 	snop  }
0x5: {  	_ = 	snop  }
0x6: {  	_ = 	snop  }
0x7: {  	_ = 	snop  }
__scs_overlays_trampoline_lowered:
0x8: {  	[smem:$0x3FAC] =	sst s0  }
0x9: {  	[smem:$0x3FAD] =	sst s1  }
0xa: {  	[smem:$0x3FAE] =	sst s2  }
0xb: {  	[smem:$0x3FAF] =	sst s3  }
0xc: {  	[smem:$0x3FB0] =	sst s4  }
0xd: {  	[smem:$0x3FB1] =	sst s5  }
0xe: {  	[smem:$0x3FB2] =	sst s6  }
0xf: {  	[smem:$0x3FB3] =	sst s7  }
0x10: {  	[smem:$0x3FB4] =	sst s8  }
0x11: {  	[smem:$0x3FB5] =	sst s9;
	s0 =	simm.s32 @!p0 $0x0  }
0x12: {  	s1 =	sld [smem:$0x3F9B];
	s0 =	simm.s32 @p0 $0x1  }
0x13: {  	[smem:$0x3FB6] =	sst s0;
	s0 =	simm.s32 @!p1 $0x0  }
0x14: {  	s2 =	sld [smem:$0x3F9A];
	s0 =	simm.s32 @p1 $0x1  }
0x15: {  	[smem:$0x3FB7] =	sst s0;
	s0 =	simm.s32 @!p2 $0x0  }
0x16: {  	s3 =	sld [smem:$0x3FDB];
	s0 =	simm.s32 @p2 $0x1  }
0x17: {  	s4 =	simm.s32 $0x1BF5;
	[smem:$0x3FB9] =	sst s0  }
0x18: {  	s0 =	sld [smem:$0x3F9C];
	_ =	swait.ge [sflag:s4], $0x0  }
0x19: {  	s7 =	sld [smem:$0x3F9D]  }
0x1a: {  	s8 =	sadd.s32 $0xFFFFE003, lr  }
0x1b: {  	s9 =	sadd.s32 $0xFFFFFEF7, lr;
	s5 =	simm.s32 $0xFFFFFFFF;
	p2 =	slt.u32 s8, $0xFFFFF086  }
0x1c: {  	p1 =	slt.u32 s9, $0xF7A;
	s5 =	simm.s32 @!p2 $0x0  }
0x1d: {  	s5 =	simm.s32 @p1 $0x1;
	p0 =	seq.s32 s7, s2  }
0x1e: {  	s7 =	smul.u32 @!p0 $0xF7A, s2;
	p2 =	seq.s32 @!p0 s5, $0x0  }
0x1f: {  	s9 =	smul.u32 $0xF7A, s1;
	s8 =	simm.s32 @!p0 $0x1BF5;
	p2 =	por !p2, p0  }
0x20: {  	[sflag:s8] =	ssyncset.s32 @!p0 $0xFFFFF086;
	s6 =	sadd.s32 @!p0 s3, s7;
	s7 =	simm.s32 @!p0 $0x108  }
0x21: {  	s3 =	sadd.s32 s3, s9;
	s6 =	sadd.s32 @!p0 $0x88, s6;
	s7 =	simm.s32 @p2 $0x1082  }
0x22: {  	[simem:s7], [sflag:s8] =	dma.local @!p0 [hbm:s6], $0xF7A  }
0x23: {  	s9 =	sor.u32 $0xD0000000, s2;
	s6 =	simm.s32 $0x108;
	_ =	swait.ge @!p0 [sflag:s8], $0x0  }
0x24: {  	s3 =	sadd.s32 $0x88, s3;
	s6 =	simm.s32 @!p1 $0x1082;
	[sflag:s4] =	ssyncset.s32 $0xFFFFF086  }
0x25: {  	[simem:s6], [sflag:s4] =	dma.local [hbm:s3], $0xF7A  }
0x26: {  	[smem:$0x3F9D] =	sst s1;
	(tag) =	ssettag s2;
	_ =	strace s9  }
0x27: {  	s1 =	sld [smem:$0x3FAD]  }
0x28: {  	s2 =	sld [smem:$0x3FAE]  }
0x29: {  	s4 =	sld [smem:$0x3FB0]  }
0x2a: {  	p0 =	seq.s32 s5, $0x0;
	s5 =	sld [smem:$0x3FB1]  }
0x2b: {  	s6 =	sld [smem:$0x3FB2]  }
0x2c: {  	s7 =	sld [smem:$0x3FB3]  }
0x2d: {  	s3 =	simm.s32 $0x108;
	s8 =	sld [smem:$0x3FB4]  }
0x2e: {  	s3 =	simm.s32 @!p0 $0x1082;
	s9 =	sld [smem:$0x3FB5]  }
0x2f: {  	lr =	sadd.s32 s0, s3;
	s0 =	sld [smem:$0x3FAC]  }
0x30: {  	s3 =	sld [smem:$0x3FAF]  }
0x31: {  	[smem:$0x3FB8] =	sst s10  }
0x32: {  	s10 =	sld [smem:$0x3FB6];
	_ =	sdelay $0x3  }
0x33: {  	p0 =	seq.s32 s10, $0x1;
	s10 =	sld [smem:$0x3FB8];
	_ =	sdelay $0x3  }
0x34: {  	[smem:$0x3FB8] =	sst s10  }
0x35: {  	s10 =	sld [smem:$0x3FB7];
	_ =	sdelay $0x3  }
0x36: {  	p1 =	seq.s32 s10, $0x1;
	s10 =	sld [smem:$0x3FB8];
	_ =	sdelay $0x3  }
0x37: {  	[smem:$0x3FB8] =	sst s10  }
0x38: {  	s10 =	sld [smem:$0x3FB9]  }
0x39: {  	_ = 	snop;
	(pc) =	sbr.ind lr, $3  }
0x3a: {  	_ = 	snop  }
0x3b: {  	_ = 	snop  }
0x3c: {  	p2 =	seq.s32 s10, $0x1;
	s10 =	sld [smem:$0x3FB8]  }
0x3d: {  	_ =	shalt  }
0x3e: {  	_ =	shalt  }
0x3f: {  	_ =	shalt  }
0x40: {  	_ =	shalt  }
0x41: {  	_ =	shalt  }
0x42: {  	_ =	shalt  }
0x43: {  	_ =	shalt  }
0x44: {  	_ =	shalt  }
0x45: {  	_ =	shalt  }
0x46: {  	_ =	shalt  }
0x47: {  	_ =	shalt  }
0x48: {  	_ =	shalt  }
0x49: {  	_ =	shalt  }
0x4a: {  	_ =	shalt  }
0x4b: {  	_ =	shalt  }
0x4c: {  	_ =	shalt  }
0x4d: {  	_ =	shalt  }
0x4e: {  	_ =	shalt  }
0x4f: {  	_ =	shalt  }
0x50: {  	_ =	shalt  }
0x51: {  	_ =	shalt  }
0x52: {  	_ =	shalt  }
0x53: {  	_ =	shalt  }
0x54: {  	_ =	shalt  }
0x55: {  	_ =	shalt  }
0x56: {  	_ =	shalt  }
0x57: {  	_ =	shalt  }
0x58: {  	_ =	shalt  }
0x59: {  	_ =	shalt  }
0x5a: {  	_ =	shalt  }
0x5b: {  	_ =	shalt  }
0x5c: {  	_ =	shalt  }
0x5d: {  	_ =	shalt  }
0x5e: {  	_ =	shalt  }
0x5f: {  	_ =	shalt  }
0x60: {  	_ =	shalt  }
0x61: {  	_ =	shalt  }
0x62: {  	_ =	shalt  }
0x63: {  	_ =	shalt  }
0x64: {  	_ =	shalt  }
0x65: {  	_ =	shalt  }
0x66: {  	_ =	shalt  }
0x67: {  	_ =	shalt  }
0x68: {  	_ =	shalt  }
0x69: {  	_ =	shalt  }
0x6a: {  	_ =	shalt  }
0x6b: {  	_ =	shalt  }
0x6c: {  	_ =	shalt  }
0x6d: {  	_ =	shalt  }
0x6e: {  	_ =	shalt  }
0x6f: {  	_ =	shalt  }
0x70: {  	_ =	shalt  }
0x71: {  	_ =	shalt  }
0x72: {  	_ =	shalt  }
0x73: {  	_ =	shalt  }
0x74: {  	_ =	shalt  }
0x75: {  	_ =	shalt  }
0x76: {  	_ =	shalt  }
0x77: {  	_ =	shalt  }
0x78: {  	_ =	shalt  }
0x79: {  	_ =	shalt  }
0x7a: {  	_ =	shalt  }
0x7b: {  	_ =	shalt  }
0x7c: {  	_ =	shalt  }
0x7d: {  	_ =	shalt  }
0x7e: {  	_ =	shalt  }
0x7f: {  	_ =	shalt  }
0x80: {  	_ =	shalt  }
0x81: {  	_ =	shalt  }
0x82: {  	_ =	shalt  }
0x83: {  	_ =	shalt  }
0x84: {  	_ =	shalt  }
0x85: {  	_ =	shalt  }
0x86: {  	_ =	shalt  }
0x87: {  	_ =	shalt  }
.Lfunc_end0:
.L_simem_size_0:
called_computation_lowered:
.L_overlay_start_0:
0x88: {  	s2 =	sld [smem:$0x3FD9]  }
0x89: {  	s3 =	sld [smem:$0x3FFE];
	_ =	sdelay $0x1  }
0x8a: {  	s1 =	srdreg.scid  }
0x8b: {  	s0 =	sand.u32 $0x1, s1  }
0x8c: {  	s17 =	sshll.u32 s0, $0xA;
	s2 =	sadd.s32 s3, s2  }
0x8d: {  	s2 =	sadd.s32 s2, s17  }
0x8e: {  	[smem:$0x3FC4] =	sst s2  }
0x8f: {  	_ = 	snop  }
0x90: {  	s2 =	sld [smem:$0x3FC9]  }
0x91: {  	s18 =	sld [smem:$0x3FD0];
	(tm) =	ssettm $0x1  }
0x92: {  	s4 =	sld [smem:$0x3FFB];
	_ =	sdelay $0x3  }
0x93: {  	_ =	strace s4  }
0x94: {  	s4 =	sld [smem:$0x3FFC];
	_ =	sdelay $0x3  }
0x95: {  	_ =	strace s4  }
0x96: {  	s4 =	sld [smem:$0x3FFD];
	_ =	sdelay $0x3  }
0x97: {  	_ =	strace s4  }
0x98: {  	_ =	strace $0x8FFFFFFF  }
0x99: {  	s19 =	sld [smem:$0x3FDB];
	_ =	sdelay $0x1  }
0x9a: {  	s5 =	simm.s32 $_scs_section_size  }
0x9b: {  	s6 =	simm.s32 $_size__tile_overlayer_lowered;
	s7 =	simm.s32 $_tile_overlayer_lowered  }
0x9c: {  	s22 =	simm.s32 $0x1BFF;
	s21 =	sshll.u32 s7, $0x1;
	s4 =	sadd.s32 s5, s19  }
0x9d: {  	s8 =	simm.s32 $0x0;
	s20 =	sshll.u32 s6, $0x1;
	s6 =	sadd.s32 s21, s4  }
0x9e: {  	[timem:s8], [sflag:s22] =	dma.local [hbm:s6], s20  }
0x9f: {  	_ =	swait.ge [sflag:s22], s20  }
0xa0: {  	s5 =	ssub.s32 $0x0, s20;
	[sflag:s22] =	ssyncset.done $0x0  }
0xa1: {  	[sflag:s22] =	ssyncadd.s32 s5;
	_ =	sdelay $0x1  }
0xa2: {  	s23 =	simm.s32 $0x1B8B  }
0xa3: {  	_ =	swait.ge [sflag:s23], $0x1  }
0xa4: {  	[sflag:s23] =	ssyncset.done $0x0  }
0xa5: {  	s25 =	simm.s32 $0x1B8E;
	s24 =	sld [smem:$0x3FFE];
	[sflag:s23] =	ssyncadd.s32 $0xFFFFFFFF  }
0xa6: {  	s26 =	simm.s32 $execute0_lowered;
	[smem:$0x3FD2] =	sst s25  }
0xa7: {  	s6 =	sshll.u32 s26, $0x1;
	_ =	strace $0x80000046;
	[dreg:$0x1] =	wrdreg $0xFFFFFFFF  }
0xa8: {  	s28 =	simm.s32 $_size_execute0_lowered;
	s4 =	sadd.s32 s4, s6;
	[dreg:$0x0] =	wrdreg $0x0  }
0xa9: {  	s6 =	sshll.u32 s28, $0x1;
	[dreg:$0x2] =	wrdreg s4  }
0xaa: {  	[dreg:$0x3] =	wrdreg s6  }
0xab: {  	[dreg:$0x4] =	wrdreg $0xC0  }
0xac: {  	_ =	task [dreg:s8], $0x5FFFF  }
0xad: {  	[dreg:$0x1] =	wrdreg $0xFFFFFFFF  }
0xae: {  	[dreg:$0x0] =	wrdreg $0x60  }
0xaf: {  	[dreg:$0x2] =	wrdreg s2  }
0xb0: {  	[dreg:$0x3] =	wrdreg s24  }
0xb1: {  	[dreg:$0x4] =	wrdreg s18  }
0xb2: {  	[dreg:$0x5] =	wrdreg $0xA7000  }
0xb3: {  	[dreg:$0x6] =	wrdreg $0x1E7000  }
0xb4: {  	[dreg:$0x7] =	wrdreg $0x9  }
0xb5: {  	_ =	task.clear_ibuf [dreg:s8], $0x8FFFF;
	_ =	strace $0x90000046  }
0xb6: {  	s29 =	simm.s32 $0x9;
	_ =	strace $0x80000048  }
0xb7: {  	_ =	swait.ge [sflag:s29], $0x1  }
0xb8: {  	[sflag:s29] =	ssyncadd.s32 $0xFFFFFFFF  }
0xb9: {  	_ =	strace $0x90000048  }
0xba: {  	_ =	sfence  }
0xbb: {  	s30 =	sld [smem:$0x0];
	_ =	sdelay $0x2  }
0xbc: {  	s31 =	sshll.u32 s1, $0xD;
	s1 =	sshrl.u32 s1, $0x2  }
0xbd: {  	s3 =	sand.u32 $0x4000, s31;
	s1 =	sadd.s32 s1, s30  }
0xbe: {  	s0 =	sor.u32 s3, s0;
	s1 =	sshll.u32 s1, $0x11  }
0xbf: {  	s0 =	sor.u32 s1, s0  }
0xc0: {  	s0 =	sadd.s32 $0x8F2B, s0  }
0xc1: {  	[sflag:s0] =	ssyncadd.remote.s32 $0x1  }
0xc2: {  	_ =	sfence.sel $0xFFFF  }
0xc3: {  	[dreg:$0x0] =	wrdreg $0xFFFFFFFF;
	(pc) =	sbr.abs _section_cstart, $3  }
0xc4: {  	[dreg:$0x1] =	wrdreg $0xFFFFFFFF  }
0xc5: {  	_ =	task.clear_ibuf [dreg:s8], $0x2FFFF;
	_ =	strace $0x9FFFFFFF  }
0xc6: {  	(tm) =	ssettm $0x7FFFFFFF  }
0xc7: {  	_ =	shalt  }
tec
execute0_lowered:
.L_overlay_start_1:
0x0: {  	(tag) =	ssettag $0x1  }
0x1: {  	s0 =	rddreg [dreg:$0x0]  }
0x2: {  	s1 =	rddreg [dreg:$0x1]  }
0x3: {  	s2 =	rddreg [dreg:$0x2];
	s4 =	srdreg.scid  }
0x4: {  	s3 =	rddreg [dreg:$0x3];
	s14 =	stileid.u32;
	s5 =	simm.s32 $0x0  }
0x5: {  	s29 =	simm.s32 $0x100;
	s30 =	simm.s32 $0x6;
	s8 =	smul.u32 $0x14000, s14  }
0x6: {  	s31 =	simm.s32 $0xA400;
	s28 =	simm.s32 $0x0;
	s9 =	smul.u32 $0x280, s14  }
0x7: {  	s6 =	sand.u32 $0x1, s4;
	s4 =	rddreg [dreg:$0x4];
	s12 =	smul.u32 $0x50000, s14  }
0x8: {  	[smem:$0x7FF] =	sst s5;
	s11 =	sadd.s32 $0x1000, s1;
	s22 =	smul.u32 $0x4E20, s14  }
0x9: {  	s10 =	sadd.s32 $0xAE00, s1;
	s16 =	sshll.u32 s14, $0x1;
	s7 =	smul.u32 $0x140000, s6  }
0xa: {  	s19 =	sshll.u32 s14, $0x6;
	s15 =	smul.u32 $0x2800, s6;
	_ =	strace $0x80000047  }
0xb: {  	[dreg:$0x6] =	wrdreg s10;
	s17 =	ssub.s32 $0x2, s6;
	s10 =	sor.u32 s6, s16  }
0xc: {  	s6 =	smul.u32 $0x2710, s6;
	s13 =	sshrl.u32 s17, $0x1;
	s12 =	sshrl.u32 s12, $0x2  }
0xd: {  	s10 =	smul.u32 $0x2710, s10;
	s7 =	sadd.s32 s8, s7;
	s8 =	sadd.s32 s9, s15  }
0xe: {  	s13 =	ssub.s32 s17, s13;
	s18 =	sadd.s32 s12, s3;
	s9 =	sadd.s32 s9, s4  }
0xf: {  	s6 =	sadd.s32 s6, s22;
	s7 =	sshrl.u32 s7, $0x3;
	s8 =	sshrl.u32 s8, $0x3  }
0x10: {  	[dreg:$0x7] =	wrdreg s18;
	s10 =	sshrl.u32 s10, $0x3;
	s6 =	sadd.s32 $0x140, s6  }
0x11: {  	s7 =	sadd.s32 s7, s1;
	s1 =	sadd.s32 s8, s1;
	s8 =	sor.u32 $0x1C09, s19  }
0x12: {  	s20 =	sadd.s32 s11, s10;
	s21 =	sadd.s32 s2, s10;
	s23 =	sadd.s32 $0xA, s10  }
0x13: {  	s15 =	sadd.s32 $0x14, s10;
	s10 =	sadd.s32 $0x1E, s10;
	[dreg:$0x8] =	wrdreg s20  }
0x14: {  	s26 =	sshrl.u32 s6, $0x3;
	[dreg:$0x9] =	wrdreg s21;
	s16 =	sadd.s32 s11, s23  }
0x15: {  	s14 =	sadd.s32 s2, s23;
	s24 =	sadd.s32 s11, s15;
	s25 =	sadd.s32 s2, s15  }
0x16: {  	s17 =	sadd.s32 s2, s10;
	s18 =	sadd.s32 $0xD600, s7;
	[dreg:$0xa] =	wrdreg s16  }
.Ltmp0:
0x17: {  	s19 =	sadd.s32 $0x5D600, s1;
	[dreg:$0xb] =	wrdreg s14;
	(pc) =	sbr.rel .LBB2_1-.Ltmp0, $4  }
0x18: {  	s20 =	smax.u32 s13, $0x1;
	s7 =	sadd.s32 s26, s11;
	[dreg:$0xc] =	wrdreg s24  }
0x19: {  	s23 =	simm.s32 $0x9;
	s1 =	simm.s32 $0x5;
	[dreg:$0xd] =	wrdreg s25  }
0x1a: {  	s16 =	sadd.s32 s11, s10;
	s10 =	sadd.s32 s26, s2;
	s24 =	simm.s32 $0xA480  }
0x1b: {  	v0 =	vimm.f32 $0.0e+00;
	v1 =	vimm.f32 $1.000000000e+00;
	s26 =	simm.s32 $0x80;
	s25 =	simm.s32 $0x50;
	s2 =	simm.s32 $0x7  }
.LBB2_7:
0x1c: {  	[bflag:$0x0] =	sbarrier.arrive $0xFFFF  }
0x1d: {  	[hbm:s18], [sflag:s8] =	dma.local [spmem:s6], $0x2800  }
0x1e: {  	_ =	swait.ge [sflag:s23], $0x2800  }
0x1f: {  	[sflag:s23] =	ssyncset.done $0x0  }
0x20: {  	[sflag:s23] =	ssyncadd.s32 $0xFFFFD800  }
0x21: {  	[tilespmem:s24], [sflag:$0x9] =	stream.linear.gather [spmem:s9], $0x280, $0x38;
	[tilespmem:$0x1E980] =	vst v63  }
0x22: {  	s28 =	sadd.s32 $0x1, s28;
	_ =	swait.ge [sflag:s23], $0x280  }
0x23: {  	p0 =	sne.s32 s28, s20;
	[sflag:s23] =	ssyncset.done $0x0  }
.Ltmp1:
0x24: {  	[sflag:s23] =	ssyncadd.s32 $0xFFFFFD80;
	(pc) =	sbr.rel @!p0 .LBB2_8-.Ltmp1, $4  }
0x25: {  	[hbm4b:s19+s5] =	stream.linear.scatter [tilespmem:s24], [sflag:$0x9], $0x280, $0x38;
	[tilespmem:$0x1E980] =	vst v63  }
0x26: {  	_ =	swait.ge [sflag:s23], $0x280  }
0x27: {  	[sflag:s23] =	ssyncset.done $0x0  }
0x28: {  	[sflag:s23] =	ssyncadd.s32 $0xFFFFFD80  }
.LBB2_1:
0x29: {  	s6 =	rddreg [dreg:$0x7]  }
0x2a: {  	s11 =	rddreg [dreg:$0x6];
	s6 =	sshrl.u32 s6, $0x3  }
0x2b: {  	[spmem:s6], [sflag:s8] =	dma.local [hbm:s11], $0x2800  }
0x2c: {  	_ =	swait.ge [sflag:s23], $0x2800  }
0x2d: {  	[sflag:s23] =	ssyncset.done $0x0  }
0x2e: {  	[sflag:s23] =	ssyncadd.s32 $0xFFFFD800  }
0x2f: {  	[tilespmem:$0xA480] =	vst v0  }
0x30: {  	[tilespmem:$0xA490] =	vst v0  }
0x31: {  	[tilespmem:$0xA4A0] =	vst v0  }
0x32: {  	[tilespmem:$0xA4B0] =	vst v0  }
0x33: {  	[tilespmem:$0xA4C0] =	vst v0  }
0x34: {  	[tilespmem:$0xA4D0] =	vst v0  }
0x35: {  	[tilespmem:$0xA4E0] =	vst v0  }
0x36: {  	[tilespmem:$0xA4F0] =	vst v0  }
0x37: {  	[tilespmem:$0xA500] =	vst v0  }
0x38: {  	[tilespmem:$0xA510] =	vst v0  }
0x39: {  	[tilespmem:$0xA520] =	vst v0  }
0x3a: {  	[tilespmem:$0xA530] =	vst v0  }
0x3b: {  	[tilespmem:$0xA540] =	vst v0  }
0x3c: {  	[tilespmem:$0xA550] =	vst v0  }
0x3d: {  	[tilespmem:$0xA560] =	vst v0  }
0x3e: {  	[tilespmem:$0xA570] =	vst v0  }
0x3f: {  	[tilespmem:$0xA580] =	vst v0  }
0x40: {  	[tilespmem:$0xA590] =	vst v0  }
0x41: {  	[tilespmem:$0xA5A0] =	vst v0  }
0x42: {  	[tilespmem:$0xA5B0] =	vst v0  }
0x43: {  	[tilespmem:$0xA5C0] =	vst v0  }
0x44: {  	[tilespmem:$0xA5D0] =	vst v0  }
0x45: {  	[tilespmem:$0xA5E0] =	vst v0  }
0x46: {  	[tilespmem:$0xA5F0] =	vst v0  }
0x47: {  	[tilespmem:$0xA600] =	vst v0  }
0x48: {  	[tilespmem:$0xA610] =	vst v0  }
0x49: {  	[tilespmem:$0xA620] =	vst v0  }
0x4a: {  	[tilespmem:$0xA630] =	vst v0  }
0x4b: {  	[tilespmem:$0xA640] =	vst v0  }
0x4c: {  	[tilespmem:$0xA650] =	vst v0  }
0x4d: {  	[tilespmem:$0xA660] =	vst v0  }
0x4e: {  	[tilespmem:$0xA670] =	vst v0  }
0x4f: {  	[tilespmem:$0xA680] =	vst v0  }
0x50: {  	[tilespmem:$0xA690] =	vst v0  }
0x51: {  	[tilespmem:$0xA6A0] =	vst v0  }
0x52: {  	[tilespmem:$0xA6B0] =	vst v0  }
0x53: {  	[tilespmem:$0xA6C0] =	vst v0  }
0x54: {  	[tilespmem:$0xA6D0] =	vst v0  }
0x55: {  	[tilespmem:$0xA6E0] =	vst v0  }
0x56: {  	[tilespmem:$0xA6F0] =	vst v0  }
0x57: {  	[spmem:s9] =	stream.linear.scatter [tilespmem:s24], [sflag:$0x9], $0x280, $0x38;
	[tilespmem:$0x1E980] =	vst v63  }
0x58: {  	_ =	swait.ge [sflag:s23], $0x280  }
0x59: {  	[sflag:s23] =	ssyncset.done $0x0  }
0x5a: {  	[sflag:s23] =	ssyncadd.s32 $0xFFFFFD80  }
0x5b: {  	[tilespmem:$0xA400] =	vst v1  }
0x5c: {  	[tilespmem:$0xA410] =	vst v1  }
0x5d: {  	[tilespmem:$0xA420] =	vst v1  }
0x5e: {  	[tilespmem:$0xA430] =	vst v1  }
0x5f: {  	[tilespmem:$0xA440] =	vst v1  }
0x60: {  	[bflag:$0x0] =	sbarrier.arrive $0xFFFF  }
0x61: {  	s21 =	rddreg [dreg:$0x8]  }
0x62: {  	[tilespmem:s5], [sflag:$0x5] =	stream.linear.gather [hbm4b:s21+s5], $0x50, $0x38;
	[tilespmem:$0x1E980] =	vst v63  }
0x63: {  	s12 =	simm.s32 $0x200;
	s22 =	rddreg [dreg:$0x9]  }
0x64: {  	[tilespmem:s12], [sflag:$0x5] =	stream.linear.gather [hbm4b:s22+s5], $0x50, $0x38;
	[tilespmem:$0x1E980] =	vst v63  }
0x65: {  	s12 =	rddreg [dreg:$0xa]  }
0x66: {  	[tilespmem:s26], [sflag:$0x6] =	stream.linear.gather [hbm4b:s12+s5], $0x50, $0x38;
	[tilespmem:$0x1E980] =	vst v63  }
0x67: {  	s14 =	simm.s32 $0x280;
	s13 =	rddreg [dreg:$0xb]  }
0x68: {  	[tilespmem:s14], [sflag:$0x6] =	stream.linear.gather [hbm4b:s13+s5], $0x50, $0x38;
	[tilespmem:$0x1E980] =	vst v63  }
0x69: {  	s15 =	rddreg [dreg:$0xc]  }
0x6a: {  	[tilespmem:s29], [sflag:$0x7] =	stream.linear.gather [hbm4b:s15+s5], $0x50, $0x38;
	[tilespmem:$0x1E980] =	vst v63  }
0x6b: {  	s21 =	rddreg [dreg:$0xd];
	s22 =	simm.s32 $0x300  }
0x6c: {  	[tilespmem:s22], [sflag:$0x7] =	stream.linear.gather [hbm4b:s21+s5], $0x50, $0x38;
	[tilespmem:$0x1E980] =	vst v63  }
0x6d: {  	s13 =	simm.s32 $0x180  }
0x6e: {  	[tilespmem:s13], [sflag:$0x8] =	stream.linear.gather [hbm4b:s16+s5], $0x50, $0x38;
	[tilespmem:$0x1E980] =	vst v63  }
0x6f: {  	s14 =	simm.s32 $0x380  }
0x70: {  	[tilespmem:s14], [sflag:$0x8] =	stream.linear.gather [hbm4b:s17+s5], $0x50, $0x38;
	[tilespmem:$0x1E980] =	vst v63  }
0x71: {  	_ =	swait.ge [sflag:s1], $0x50  }
0x72: {  	[sflag:s1] =	ssyncset.done $0x0  }
0x73: {  	[sflag:s1] =	ssyncadd.s32 $0xFFFFFFB0  }
0x74: {  	_ =	swait.ge [sflag:s1], $0x50  }
0x75: {  	[sflag:s1] =	ssyncset.done $0x0  }
0x76: {  	s15 =	simm.s32 $0x400;
	[sflag:s1] =	ssyncadd.s32 $0xFFFFFFB0  }
0x77: {  	[tilespmem:s15], [sflag:$0x1] =	stream.indirect.gather [hbm4b:s0+s25], $0x80, s5, s25, $0xb8;
	[tilespmem:$0x1E980] =	vst v63  }
0x78: {  	_ =	swait.ge [sflag:s30], $0x50  }
0x79: {  	[sflag:s30] =	ssyncset.done $0x0  }
0x7a: {  	[sflag:s30] =	ssyncadd.s32 $0xFFFFFFB0  }
0x7b: {  	_ =	swait.ge [sflag:s30], $0x50  }
0x7c: {  	[sflag:s30] =	ssyncset.done $0x0  }
0x7d: {  	s21 =	simm.s32 $0x2C00;
	[sflag:s30] =	ssyncadd.s32 $0xFFFFFFB0  }
0x7e: {  	[tilespmem:s21], [sflag:$0x2] =	stream.indirect.gather [hbm4b:s0+s25], $0x80, s26, s25, $0xb8;
	[tilespmem:$0x1E980] =	vst v63  }
0x7f: {  	_ =	swait.ge [sflag:s2], $0x50  }
0x80: {  	[sflag:s2] =	ssyncset.done $0x0  }
0x81: {  	[sflag:s2] =	ssyncadd.s32 $0xFFFFFFB0  }
.Ltmp2:
0x82: {  	_ =	swait.ge [sflag:s2], $0x50;
	(pc) =	sbr.rel .LBB2_2-.Ltmp2, $4  }
0x83: {  	[sflag:s2] =	ssyncset.done $0x0  }
0x84: {  	s22 =	simm.s32 $0x5400;
	[sflag:s2] =	ssyncadd.s32 $0xFFFFFFB0  }
0x85: {  	[tilespmem:s22], [sflag:$0x3] =	stream.indirect.gather [hbm4b:s0+s25], $0x80, s29, s25, $0xb8;
	[tilespmem:$0x1E980] =	vst v63  }
0x86: {  	s11 =	simm.s32 $0x0;
	s21 =	smov.u32 s10;
	s22 =	smov.u32 s7  }
.LBB2_3:
0x87: {  	s12 =	sadd.s32 $0x5, s12  }
0x88: {  	[tilespmem:s13], [sflag:s12] =	stream.linear.gather [hbm4b:s22+s5], $0x50, $0x38;
	[tilespmem:$0x1E980] =	vst v63  }
0x89: {  	_ = 	snop  }
0x8a: {  	[tilespmem:s14], [sflag:s12] =	stream.linear.gather [hbm4b:s21+s5], $0x50, $0x38;
	[tilespmem:$0x1E980] =	vst v63  }
.LBB2_5:
0x8b: {  	s12 =	sadd.s32 $0xFFFFFFFF, s11  }
0x8c: {  	s12 =	sand.u32 $0x3, s12  }
0x8d: {  	s13 =	sadd.s32 $0x5, s12  }
0x8e: {  	_ =	swait.ge [sflag:s13], $0x50  }
0x8f: {  	[sflag:s13] =	ssyncset.done $0x0  }
0x90: {  	s14 =	smul.u32 $0xA000, s12;
	[sflag:s13] =	ssyncadd.s32 $0xFFFFFFB0  }
0x91: {  	_ =	swait.ge [sflag:s13], $0x50  }
0x92: {  	s15 =	sshll.u32 s12, $0x7;
	s14 =	sshrl.u32 s14, $0x2;
	[sflag:s13] =	ssyncset.done $0x0  }
0x93: {  	s12 =	sadd.s32 $0x1, s12;
	s14 =	sor.u32 $0x400, s14;
	[sflag:s13] =	ssyncadd.s32 $0xFFFFFFB0  }
0x94: {  	[tilespmem:s14], [sflag:s12] =	stream.indirect.gather [hbm4b:s0+s25], $0x80, s15, s25, $0xb8;
	[tilespmem:$0x1E980] =	vst v63  }
.LBB2_6:
0x95: {  	s11 =	sadd.s32 $0x1, s11  }
0x96: {  	p0 =	sne.s32 s11, $0x7D  }
.Ltmp3:
0x97: {  	_ = 	snop;
	(pc) =	sbr.rel @!p0 .LBB2_7-.Ltmp3, $2  }
0x98: {  	_ =	sdelay $0x2  }
0x99: {  	s21 =	sadd.s32 $0xA, s21;
	s22 =	sadd.s32 $0xA, s22  }
.LBB2_2:
0x9a: {  	s12 =	sand.u32 $0x3, s11  }
0x9b: {  	s13 =	smul.u32 $0xA000, s12;
	s14 =	sadd.s32 $0x1, s12  }
0x9c: {  	_ =	swait.ge [sflag:s14], $0x2800  }
0x9d: {  	s15 =	sshrl.u32 s13, $0x2;
	[sflag:s14] =	ssyncset.done $0x0;
	s13 =	sshll.u32 s12, $0x7  }
0x9e: {  	s15 =	sor.u32 $0x400, s15;
	[sflag:s14] =	ssyncadd.s32 $0xFFFFD800;
	s14 =	sor.u32 $0x200, s13  }
0x9f: {  	[spmem:s3] =	stream.indirect.scatter.add.f32 [tilespmem:s15], [sflag:$0x9], $0x80, s14, s25, $0xb8;
	[tilespmem:$0x1E980] =	vst v63  }
0xa0: {  	_ =	swait.ge [sflag:s23], $0x2800  }
0xa1: {  	p0 =	sgt.u32 s11, $0x78;
	[sflag:s23] =	ssyncset.done $0x0  }
.Ltmp4:
0xa2: {  	[sflag:s23] =	ssyncadd.s32 $0xFFFFD800;
	(pc) =	sbr.rel @!p0 .LBB2_3-.Ltmp4, $4  }
0xa3: {  	[spmem:s4] =	stream.indirect.scatter.add.f32 [tilespmem:s31], [sflag:$0x9], $0x1, s14, s25, $0xb8;
	[tilespmem:$0x1E980] =	vst v63  }
0xa4: {  	_ =	swait.ge [sflag:s23], $0x50  }
0xa5: {  	[sflag:s23] =	ssyncset.done $0x0  }
0xa6: {  	[sflag:s23] =	ssyncadd.s32 $0xFFFFFFB0  }
0xa7: {  	p0 =	sne.s32 s11, $0x79  }
.Ltmp5:
0xa8: {  	_ = 	snop;
	(pc) =	sbr.rel @p0 .LBB2_6-.Ltmp5, $4  }
.Ltmp6:
0xa9: {  	_ = 	snop;
	(pc) =	sbr.rel @!p0 .LBB2_5-.Ltmp6, $4  }
0xaa: {  	_ = 	snop  }
0xab: {  	_ = 	snop  }
0xac: {  	_ = 	snop  }
0xad: {  	_ = 	snop  }
.LBB2_8:
0xae: {  	_ =	sfence.sel $0x180000  }
0xaf: {  	[bflag:$0x0] =	sbarrier.arrive $0xFFFF  }
0xb0: {  	_ =	strace $0x90000047  }
0xb1: {  	s0 =	stileid.u32;
	[bflag:$0x2] =	sbarrier.arrive $0xFFFF  }
0xb2: {  	p0 =	sne.s32 s0, $0x0;
	s0 =	rddreg [dreg:$0x5]  }
0xb3: {  	s0 =	sadd.s32 @!p0 $0x100000, s0  }
0xb4: {  	[sflag:s0] =	ssyncadd.tile.s32 @!p0 $0x1;
	_ =	shalt  }
.Lfunc_end2:
_tile_overlayer_lowered:
.L_overlay_start_2:
0xb5: {  	(tag) =	ssettag $0x2  }
0xb6: {  	s0 =	rddreg [dreg:$0x0];
	s2 =	stileid.u32  }
0xb7: {  	s1 =	rddreg [dreg:$0x1];
	p0 =	sne.s32 s2, $0x0  }
0xb8: {  	s3 =	rddreg [dreg:$0x2];
	[bflag:$0x3] =	sbarrier.arrive $0xFFFF;
	s2 =	simm.s32 @!p0 $0x1C09  }
0xb9: {  	[timem:s3], [sflag:s2] =	dma.local @!p0 [hbm:s0], s1  }
0xba: {  	s0 =	simm.s32 @!p0 $0x9  }
0xbb: {  	_ =	swait.ge @!p0 [sflag:s0], s1  }
0xbc: {  	s1 =	ssub.s32 @!p0 $0x0, s1;
	[sflag:s0] =	ssyncset.done @!p0 $0x0  }
0xbd: {  	[sflag:s0] =	ssyncadd.s32 @!p0 s1  }
0xbe: {  	[bflag:$0x3] =	sbarrier.arrive $0xFFFF  }
0xbf: {  	_ =	shalt  }

</sc_bundles>
